<compile_context>
chip_gen: v7x
topology: tpu7x:2x2x1
jax: 0.10.2.dev20260603
libtpu: 0.0.44.dev20260713+nightly
codegen_flags: <defaults>
</compile_context>

<pallas_src>
import functools

import jax
import jax.numpy as jnp
from jax import lax
from jax.experimental import pallas as pl
from jax.experimental.pallas import tpu as pltpu
from jax.experimental.pallas import tpu_sc as plsc

_K = 8192
_D = 256
_BETA = 0.25
_EPS = 1e-12
_BM = 128
_CH = 128


def _argmin_min(z_nb, e_nb):
    M = z_nb.shape[0]

    def body(z_ref, en_ref, idx_ref, m_ref):
        s = lax.dot_general(
            z_ref[...], en_ref[...],
            (((1,), (1,)), ((), ())),
            preferred_element_type=jnp.float32)
        dist = 2.0 - 2.0 * s
        m = jnp.min(dist, axis=1, keepdims=True)
        iota = lax.broadcasted_iota(jnp.int32, (_BM, _K), 1)
        idx = jnp.min(jnp.where(dist == m, iota, _K), axis=1)
        idx_ref[...] = idx[:, None]
        m_ref[...] = m

    return pl.pallas_call(
        body,
        grid=(M // _BM,),
        in_specs=[
            pl.BlockSpec((_BM, _D), lambda i: (i, 0)),
            pl.BlockSpec((_K, _D), lambda i: (0, 0)),
        ],
        out_specs=[
            pl.BlockSpec((_BM, 1), lambda i: (i, 0)),
            pl.BlockSpec((_BM, 1), lambda i: (i, 0)),
        ],
        out_shape=[
            jax.ShapeDtypeStruct((M, 1), jnp.int32),
            jax.ShapeDtypeStruct((M, 1), jnp.float32),
        ],
    )(z_nb, e_nb)


def _gather_rows(codebook, idx_flat):
    info = plsc.get_sparse_core_info()
    nc, ns = info.num_cores, info.num_subcores
    nw = nc * ns
    M = idx_flat.shape[0]
    bpw = M // nw
    nch = bpw // _CH
    mesh = plsc.VectorSubcoreMesh(core_axis_name="c", subcore_axis_name="s")

    @functools.partial(
        pl.kernel,
        mesh=mesh,
        out_type=jax.ShapeDtypeStruct((M, _D), jnp.float32),
        scratch_types=[
            pltpu.VMEM((_CH,), jnp.int32),
            pltpu.VMEM((_CH, _D), jnp.float32),
            pltpu.SemaphoreType.DMA,
        ],
    )
    def k(cb_hbm, idx_hbm, out_hbm, idx_v, rows_v, sem):
        wid = lax.axis_index("s") * nc + lax.axis_index("c")
        base = pl.multiple_of(wid * bpw, _CH)
        for c in range(nch):
            off = base + c * _CH
            pltpu.sync_copy(idx_hbm.at[pl.ds(off, _CH)], idx_v)
            pltpu.async_copy(cb_hbm.at[idx_v], rows_v, sem).wait()
            pltpu.sync_copy(rows_v, out_hbm.at[pl.ds(off, _CH)])

    return k(codebook, idx_flat)


def _finalize(z2d, z_q2d, idx2d, mins_a, mins_b):
    M = z2d.shape[0]
    br = 256
    grid = M // br
    scale = 1.0 / (M * _D)

    def body(z_ref, q_ref, idx_ref, ma_ref, mb_ref, st_ref, loss_ref,
             perp_ref, ent_ref, use_ref, acc_ref, h_acc):
        i = pl.program_id(0)
        z = z_ref[...]
        q = q_ref[...]
        st_ref[...] = z + (q - z)
        zsq = jnp.sum(z * z, axis=1, keepdims=True)
        qsq = jnp.sum(q * q, axis=1, keepdims=True)
        s_sel = 1.0 - 0.25 * (ma_ref[...] + mb_ref[...])
        cross = s_sel * jnp.sqrt(zsq) * jnp.sqrt(qsq)
        blk = jnp.sum(zsq + qsq - 2.0 * cross)
        iota = lax.broadcasted_iota(jnp.int32, (br, _K), 1)
        onehot = jnp.where(iota == idx_ref[...], 1.0, 0.0)
        contrib = jnp.sum(onehot, axis=0).reshape(1, _K)

        @pl.when(i == 0)
        def _():
            acc_ref[0, 0] = blk
            h_acc[...] = contrib

        @pl.when(i > 0)
        def _():
            acc_ref[0, 0] += blk
            h_acc[...] += contrib

        @pl.when(i == grid - 1)
        def _():
            mse = acc_ref[0, 0] * scale
            loss_ref[0, 0] = mse + _BETA * mse
            h = h_acc[...]
            prob = h / (jnp.sum(h) + 1e-12)
            ent = -jnp.sum(prob * jnp.log(prob + 1e-12))
            ent_ref[0, 0] = ent
            perp_ref[0, 0] = jnp.exp(ent)
            use_ref[0, 0] = jnp.mean((h > 0).astype(jnp.float32))

    scalar_spec = pl.BlockSpec((1, 1), lambda i: (0, 0),
                               memory_space=pltpu.SMEM)
    scalar_shape = jax.ShapeDtypeStruct((1, 1), jnp.float32)
    return pl.pallas_call(
        body,
        grid=(grid,),
        in_specs=[
            pl.BlockSpec((br, _D), lambda i: (i, 0)),
            pl.BlockSpec((br, _D), lambda i: (i, 0)),
            pl.BlockSpec((br, 1), lambda i: (i, 0)),
            pl.BlockSpec((br, 1), lambda i: (i, 0)),
            pl.BlockSpec((br, 1), lambda i: (i, 0)),
        ],
        out_specs=[
            pl.BlockSpec((br, _D), lambda i: (i, 0)),
            scalar_spec, scalar_spec, scalar_spec, scalar_spec,
        ],
        out_shape=[
            jax.ShapeDtypeStruct((M, _D), jnp.float32),
            scalar_shape, scalar_shape, scalar_shape, scalar_shape,
        ],
        scratch_shapes=[pltpu.SMEM((1, 1), jnp.float32),
                        pltpu.VMEM((1, _K), jnp.float32)],
    )(z2d, z_q2d, idx2d, mins_a, mins_b)


def _l2n(x):
    n = jnp.sqrt(jnp.sum(x * x, axis=1, keepdims=True))
    return x / jnp.maximum(n, _EPS)


def kernel(z_e, codebook):
    B, N, D = z_e.shape
    z2d = z_e.reshape(-1, D)
    z_nb = _l2n(z2d).astype(jnp.bfloat16)
    e_nb = _l2n(codebook).astype(jnp.bfloat16)
    s_j = jnp.matmul(z_nb, e_nb.T, preferred_element_type=jnp.float32)
    d_j = 2.0 - 2.0 * s_j
    i_j = jnp.argmin(d_j, axis=1).astype(jnp.int32)
    z_q2d = _gather_rows(codebook, i_j)
    z_q_st = z2d + (z_q2d - z2d)
    mse = jnp.mean((z_q2d - z2d) ** 2)
    loss = mse + _BETA * mse
    hist = jnp.zeros((_K,), jnp.float32).at[i_j].add(1.0)
    prob = hist / (hist.sum() + 1e-12)
    ent = -jnp.sum(prob * jnp.log(prob + 1e-12))
    perp = jnp.exp(ent)
    use = jnp.mean((hist > 0).astype(jnp.float32))
    return (z_q_st.reshape(B, N, D), i_j.reshape(B, N),
            loss, perp, ent, use)

# --- scband reference (transcript-rebuilt; emitter-appended) ---
"""Pipeline reference for scband-vector-quantizer-34359738640 (READ-ONLY COPY).

The authoritative reference and input builder live on the scoring server;
editing this copy changes nothing except your own understanding.
"""

import jax, jax.numpy as jnp
import numpy as np

CODEBOOK_SIZE = 8192
D_MODEL = 256
BETA = 0.25


def _l2_normalize(x, axis=1, eps=1e-12):
    n = jnp.sqrt(jnp.sum(x * x, axis=axis, keepdims=True))
    return x / jnp.maximum(n, eps)


def setup_inputs(seed: int = 0) -> dict:
    key = jax.random.key(seed)
    k1, k2 = jax.random.split(key)
    z_e = jax.random.normal(k1, (16, 1024, 256), dtype=jnp.float32)
    codebook = jax.random.uniform(
        k2, (CODEBOOK_SIZE, D_MODEL), dtype=jnp.float32,
        minval=-1.0 / CODEBOOK_SIZE, maxval=1.0 / CODEBOOK_SIZE)
    return {"z_e": z_e, "codebook": codebook}


def reference(z_e, codebook):
    B, N, D = z_e.shape
    z = z_e.reshape(-1, D)
    e = codebook
    # use_l2_norm=True path
    z_n = _l2_normalize(z, axis=1)
    e_n = _l2_normalize(e, axis=1)
    dist = 2.0 - 2.0 * (z_n @ e_n.T)
    indices = jnp.argmin(dist, axis=1)
    z_q = jnp.take(codebook, indices, axis=0).reshape(B, N, D)
    loss_codebook = jnp.mean((z_q - jax.lax.stop_gradient(z_e)) ** 2)
    loss_commit = jnp.mean((z_e - jax.lax.stop_gradient(z_q)) ** 2)
    loss_vq = loss_codebook + BETA * loss_commit
    # orth_reg_weight = 0.0 -> orth loss is zero
    loss_total = loss_vq
    z_q_st = z_e + jax.lax.stop_gradient(z_q - z_e)
    hist = jnp.bincount(indices, length=CODEBOOK_SIZE).astype(jnp.float32)
    prob = hist / (hist.sum() + 1e-12)
    entropy = -jnp.sum(prob * jnp.log(prob + 1e-12))
    perplexity = jnp.exp(entropy)
    usage = jnp.mean((hist > 0).astype(jnp.float32))
    return (z_q_st, indices.reshape(B, N), loss_total, perplexity, entropy, usage)

if __name__ == "__main__":
    import jax
    _d = setup_inputs()
    print(jax.jit(kernel)(*tuple(_d.values())))

</pallas_src>

<mosaic_0001>
#map = affine_map<(d0, d1) -> (0, 0)>
#map1 = affine_map<(d0, d1) -> (0)>
module attributes {stable_mosaic.version = 14 : i64} {
  func.func @k(%arg0: i32, %arg1: i32, %arg2: memref<8192x256xf32, #tpu.memory_space<hbm>>, %arg3: memref<16384xi32, #tpu.memory_space<hbm>>, %arg4: memref<16384x256xf32, #tpu.memory_space<hbm>>, %arg5: memref<128xi32, #tpu.memory_space<vmem>>, %arg6: memref<128x256xf32, #tpu.memory_space<vmem>>, %arg7: memref<!tpu.dma_semaphore, #tpu.memory_space<semaphore_mem>>) attributes {dimension_semantics = [#tpu.dimension_semantics<core_parallel>, #tpu.dimension_semantics<subcore_parallel>], iteration_bounds = array<i64: 2, 16>, scalar_prefetch = 0 : i64, scratch_operands = 3 : i64, tpu.core_type = #tpu.core_type<sc_vector_subcore>, window_params = [{transform_indices = #map}, {transform_indices = #map1}, {transform_indices = #map}]} {
    %mul3A = arith.constant 2 : i32
    %mul3A_0 = arith.muli %arg1, %mul3A : i32
    %add3A = arith.addi %mul3A_0, %arg0 : i32
    %mul3A_1 = arith.constant 512 : i32
    %mul3A_2 = arith.muli %add3A, %mul3A_1 : i32
    %multiple_of3A = tpu.assume_multiple %mul3A_2, 128 : i32
    %add3A_3 = arith.constant 0 : i32
    %add3A_4 = arith.addi %multiple_of3A, %add3A_3 : i32
    "tpu.region"() ({
      %run_scoped3A = tpu.sem_alloc : memref<!tpu.dma_semaphore, #tpu.memory_space<semaphore_mem>>
      %dma_start3A_33 = tpu.memref_slice %arg3[%add3A_4] : memref<16384xi32, #tpu.memory_space<hbm>> -> memref<128xi32, #tpu.memory_space<hbm>>
      %dma_start3A_34 = tpu.memref_slice %arg3[%add3A_4] : memref<16384xi32, #tpu.memory_space<hbm>> -> memref<128xi32, #tpu.memory_space<hbm>>
      tpu.enqueue_dma source(%dma_start3A_34 : memref<128xi32, #tpu.memory_space<hbm>>) target(%arg5 : memref<128xi32, #tpu.memory_space<vmem>>) target_semaphore(%run_scoped3A : memref<!tpu.dma_semaphore, #tpu.memory_space<semaphore_mem>>)
      %dma_wait3A_35 = tpu.memref_slice %arg3[%add3A_4] : memref<16384xi32, #tpu.memory_space<hbm>> -> memref<128xi32, #tpu.memory_space<hbm>>
      %dma_wait3A_36 = tpu.memref_slice %arg3[%add3A_4] : memref<16384xi32, #tpu.memory_space<hbm>> -> memref<128xi32, #tpu.memory_space<hbm>>
      tpu.wait_dma2 semaphore(%run_scoped3A : memref<!tpu.dma_semaphore, #tpu.memory_space<semaphore_mem>>) src(%dma_wait3A_36 : memref<128xi32, #tpu.memory_space<hbm>>) dst(%arg5 : memref<128xi32, #tpu.memory_space<vmem>>)
      tpu.yield
    }) : () -> ()
    %dma_start3A = arith.constant 0 : i32
    %dma_start3A_5 = arith.constant 0 : i32
    %dma_start3A_6 = tpu.memref_slice %arg2[%dma_start3A, %dma_start3A_5] : memref<8192x256xf32, #tpu.memory_space<hbm>> -> memref<8192x256xf32, #tpu.memory_space<hbm>>
    tpu.enqueue_indirect_dma source(%dma_start3A_6 : memref<8192x256xf32, #tpu.memory_space<hbm>>) target(%arg6 : memref<128x256xf32, #tpu.memory_space<vmem>>) offsets(%arg5 : memref<128xi32, #tpu.memory_space<vmem>>) semaphore(%arg7 : memref<!tpu.dma_semaphore, #tpu.memory_space<semaphore_mem>>)
    %dma_wait3A = arith.constant 0 : i32
    %dma_wait3A_7 = arith.constant 0 : i32
    %dma_wait3A_8 = tpu.memref_slice %arg2[%dma_wait3A, %dma_wait3A_7] : memref<8192x256xf32, #tpu.memory_space<hbm>> -> memref<8192x256xf32, #tpu.memory_space<hbm>>
    tpu.wait_indirect_dma semaphore(%arg7 : memref<!tpu.dma_semaphore, #tpu.memory_space<semaphore_mem>>) src(%dma_wait3A_8 : memref<8192x256xf32, #tpu.memory_space<hbm>>) dst(%arg6 : memref<128x256xf32, #tpu.memory_space<vmem>>)
    "tpu.region"() ({
      %run_scoped3A = tpu.sem_alloc : memref<!tpu.dma_semaphore, #tpu.memory_space<semaphore_mem>>
      %dma_start3A_33 = arith.constant 0 : i32
      %dma_start3A_34 = tpu.memref_slice %arg4[%add3A_4, %dma_start3A_33] : memref<16384x256xf32, #tpu.memory_space<hbm>> -> memref<128x256xf32, #tpu.memory_space<hbm>>
      %dma_start3A_35 = arith.constant 0 : i32
      %dma_start3A_36 = tpu.memref_slice %arg4[%add3A_4, %dma_start3A_35] : memref<16384x256xf32, #tpu.memory_space<hbm>> -> memref<128x256xf32, #tpu.memory_space<hbm>>
      tpu.enqueue_dma source(%arg6 : memref<128x256xf32, #tpu.memory_space<vmem>>) target(%dma_start3A_36 : memref<128x256xf32, #tpu.memory_space<hbm>>) target_semaphore(%run_scoped3A : memref<!tpu.dma_semaphore, #tpu.memory_space<semaphore_mem>>)
      %dma_wait3A_37 = arith.constant 0 : i32
      %dma_wait3A_38 = tpu.memref_slice %arg4[%add3A_4, %dma_wait3A_37] : memref<16384x256xf32, #tpu.memory_space<hbm>> -> memref<128x256xf32, #tpu.memory_space<hbm>>
      %dma_wait3A_39 = arith.constant 0 : i32
      %dma_wait3A_40 = tpu.memref_slice %arg4[%add3A_4, %dma_wait3A_39] : memref<16384x256xf32, #tpu.memory_space<hbm>> -> memref<128x256xf32, #tpu.memory_space<hbm>>
      tpu.wait_dma2 semaphore(%run_scoped3A : memref<!tpu.dma_semaphore, #tpu.memory_space<semaphore_mem>>) src(%arg6 : memref<128x256xf32, #tpu.memory_space<vmem>>) dst(%dma_wait3A_40 : memref<128x256xf32, #tpu.memory_space<hbm>>)
      tpu.yield
    }) : () -> ()
    %add3A_9 = arith.constant 128 : i32
    %add3A_10 = arith.addi %multiple_of3A, %add3A_9 : i32
    "tpu.region"() ({
      %run_scoped3A = tpu.sem_alloc : memref<!tpu.dma_semaphore, #tpu.memory_space<semaphore_mem>>
      %dma_start3A_33 = tpu.memref_slice %arg3[%add3A_10] : memref<16384xi32, #tpu.memory_space<hbm>> -> memref<128xi32, #tpu.memory_space<hbm>>
      %dma_start3A_34 = tpu.memref_slice %arg3[%add3A_10] : memref<16384xi32, #tpu.memory_space<hbm>> -> memref<128xi32, #tpu.memory_space<hbm>>
      tpu.enqueue_dma source(%dma_start3A_34 : memref<128xi32, #tpu.memory_space<hbm>>) target(%arg5 : memref<128xi32, #tpu.memory_space<vmem>>) target_semaphore(%run_scoped3A : memref<!tpu.dma_semaphore, #tpu.memory_space<semaphore_mem>>)
      %dma_wait3A_35 = tpu.memref_slice %arg3[%add3A_10] : memref<16384xi32, #tpu.memory_space<hbm>> -> memref<128xi32, #tpu.memory_space<hbm>>
      %dma_wait3A_36 = tpu.memref_slice %arg3[%add3A_10] : memref<16384xi32, #tpu.memory_space<hbm>> -> memref<128xi32, #tpu.memory_space<hbm>>
      tpu.wait_dma2 semaphore(%run_scoped3A : memref<!tpu.dma_semaphore, #tpu.memory_space<semaphore_mem>>) src(%dma_wait3A_36 : memref<128xi32, #tpu.memory_space<hbm>>) dst(%arg5 : memref<128xi32, #tpu.memory_space<vmem>>)
      tpu.yield
    }) : () -> ()
    %dma_start3A_11 = arith.constant 0 : i32
    %dma_start3A_12 = arith.constant 0 : i32
    %dma_start3A_13 = tpu.memref_slice %arg2[%dma_start3A_11, %dma_start3A_12] : memref<8192x256xf32, #tpu.memory_space<hbm>> -> memref<8192x256xf32, #tpu.memory_space<hbm>>
    tpu.enqueue_indirect_dma source(%dma_start3A_13 : memref<8192x256xf32, #tpu.memory_space<hbm>>) target(%arg6 : memref<128x256xf32, #tpu.memory_space<vmem>>) offsets(%arg5 : memref<128xi32, #tpu.memory_space<vmem>>) semaphore(%arg7 : memref<!tpu.dma_semaphore, #tpu.memory_space<semaphore_mem>>)
    %dma_wait3A_14 = arith.constant 0 : i32
    %dma_wait3A_15 = arith.constant 0 : i32
    %dma_wait3A_16 = tpu.memref_slice %arg2[%dma_wait3A_14, %dma_wait3A_15] : memref<8192x256xf32, #tpu.memory_space<hbm>> -> memref<8192x256xf32, #tpu.memory_space<hbm>>
    tpu.wait_indirect_dma semaphore(%arg7 : memref<!tpu.dma_semaphore, #tpu.memory_space<semaphore_mem>>) src(%dma_wait3A_16 : memref<8192x256xf32, #tpu.memory_space<hbm>>) dst(%arg6 : memref<128x256xf32, #tpu.memory_space<vmem>>)
    "tpu.region"() ({
      %run_scoped3A = tpu.sem_alloc : memref<!tpu.dma_semaphore, #tpu.memory_space<semaphore_mem>>
      %dma_start3A_33 = arith.constant 0 : i32
      %dma_start3A_34 = tpu.memref_slice %arg4[%add3A_10, %dma_start3A_33] : memref<16384x256xf32, #tpu.memory_space<hbm>> -> memref<128x256xf32, #tpu.memory_space<hbm>>
      %dma_start3A_35 = arith.constant 0 : i32
      %dma_start3A_36 = tpu.memref_slice %arg4[%add3A_10, %dma_start3A_35] : memref<16384x256xf32, #tpu.memory_space<hbm>> -> memref<128x256xf32, #tpu.memory_space<hbm>>
      tpu.enqueue_dma source(%arg6 : memref<128x256xf32, #tpu.memory_space<vmem>>) target(%dma_start3A_36 : memref<128x256xf32, #tpu.memory_space<hbm>>) target_semaphore(%run_scoped3A : memref<!tpu.dma_semaphore, #tpu.memory_space<semaphore_mem>>)
      %dma_wait3A_37 = arith.constant 0 : i32
      %dma_wait3A_38 = tpu.memref_slice %arg4[%add3A_10, %dma_wait3A_37] : memref<16384x256xf32, #tpu.memory_space<hbm>> -> memref<128x256xf32, #tpu.memory_space<hbm>>
      %dma_wait3A_39 = arith.constant 0 : i32
      %dma_wait3A_40 = tpu.memref_slice %arg4[%add3A_10, %dma_wait3A_39] : memref<16384x256xf32, #tpu.memory_space<hbm>> -> memref<128x256xf32, #tpu.memory_space<hbm>>
      tpu.wait_dma2 semaphore(%run_scoped3A : memref<!tpu.dma_semaphore, #tpu.memory_space<semaphore_mem>>) src(%arg6 : memref<128x256xf32, #tpu.memory_space<vmem>>) dst(%dma_wait3A_40 : memref<128x256xf32, #tpu.memory_space<hbm>>)
      tpu.yield
    }) : () -> ()
    %add3A_17 = arith.constant 256 : i32
    %add3A_18 = arith.addi %multiple_of3A, %add3A_17 : i32
    "tpu.region"() ({
      %run_scoped3A = tpu.sem_alloc : memref<!tpu.dma_semaphore, #tpu.memory_space<semaphore_mem>>
      %dma_start3A_33 = tpu.memref_slice %arg3[%add3A_18] : memref<16384xi32, #tpu.memory_space<hbm>> -> memref<128xi32, #tpu.memory_space<hbm>>
      %dma_start3A_34 = tpu.memref_slice %arg3[%add3A_18] : memref<16384xi32, #tpu.memory_space<hbm>> -> memref<128xi32, #tpu.memory_space<hbm>>
      tpu.enqueue_dma source(%dma_start3A_34 : memref<128xi32, #tpu.memory_space<hbm>>) target(%arg5 : memref<128xi32, #tpu.memory_space<vmem>>) target_semaphore(%run_scoped3A : memref<!tpu.dma_semaphore, #tpu.memory_space<semaphore_mem>>)
      %dma_wait3A_35 = tpu.memref_slice %arg3[%add3A_18] : memref<16384xi32, #tpu.memory_space<hbm>> -> memref<128xi32, #tpu.memory_space<hbm>>
      %dma_wait3A_36 = tpu.memref_slice %arg3[%add3A_18] : memref<16384xi32, #tpu.memory_space<hbm>> -> memref<128xi32, #tpu.memory_space<hbm>>
      tpu.wait_dma2 semaphore(%run_scoped3A : memref<!tpu.dma_semaphore, #tpu.memory_space<semaphore_mem>>) src(%dma_wait3A_36 : memref<128xi32, #tpu.memory_space<hbm>>) dst(%arg5 : memref<128xi32, #tpu.memory_space<vmem>>)
      tpu.yield
    }) : () -> ()
    %dma_start3A_19 = arith.constant 0 : i32
    %dma_start3A_20 = arith.constant 0 : i32
    %dma_start3A_21 = tpu.memref_slice %arg2[%dma_start3A_19, %dma_start3A_20] : memref<8192x256xf32, #tpu.memory_space<hbm>> -> memref<8192x256xf32, #tpu.memory_space<hbm>>
    tpu.enqueue_indirect_dma source(%dma_start3A_21 : memref<8192x256xf32, #tpu.memory_space<hbm>>) target(%arg6 : memref<128x256xf32, #tpu.memory_space<vmem>>) offsets(%arg5 : memref<128xi32, #tpu.memory_space<vmem>>) semaphore(%arg7 : memref<!tpu.dma_semaphore, #tpu.memory_space<semaphore_mem>>)
    %dma_wait3A_22 = arith.constant 0 : i32
    %dma_wait3A_23 = arith.constant 0 : i32
    %dma_wait3A_24 = tpu.memref_slice %arg2[%dma_wait3A_22, %dma_wait3A_23] : memref<8192x256xf32, #tpu.memory_space<hbm>> -> memref<8192x256xf32, #tpu.memory_space<hbm>>
    tpu.wait_indirect_dma semaphore(%arg7 : memref<!tpu.dma_semaphore, #tpu.memory_space<semaphore_mem>>) src(%dma_wait3A_24 : memref<8192x256xf32, #tpu.memory_space<hbm>>) dst(%arg6 : memref<128x256xf32, #tpu.memory_space<vmem>>)
    "tpu.region"() ({
      %run_scoped3A = tpu.sem_alloc : memref<!tpu.dma_semaphore, #tpu.memory_space<semaphore_mem>>
      %dma_start3A_33 = arith.constant 0 : i32
      %dma_start3A_34 = tpu.memref_slice %arg4[%add3A_18, %dma_start3A_33] : memref<16384x256xf32, #tpu.memory_space<hbm>> -> memref<128x256xf32, #tpu.memory_space<hbm>>
      %dma_start3A_35 = arith.constant 0 : i32
      %dma_start3A_36 = tpu.memref_slice %arg4[%add3A_18, %dma_start3A_35] : memref<16384x256xf32, #tpu.memory_space<hbm>> -> memref<128x256xf32, #tpu.memory_space<hbm>>
      tpu.enqueue_dma source(%arg6 : memref<128x256xf32, #tpu.memory_space<vmem>>) target(%dma_start3A_36 : memref<128x256xf32, #tpu.memory_space<hbm>>) target_semaphore(%run_scoped3A : memref<!tpu.dma_semaphore, #tpu.memory_space<semaphore_mem>>)
      %dma_wait3A_37 = arith.constant 0 : i32
      %dma_wait3A_38 = tpu.memref_slice %arg4[%add3A_18, %dma_wait3A_37] : memref<16384x256xf32, #tpu.memory_space<hbm>> -> memref<128x256xf32, #tpu.memory_space<hbm>>
      %dma_wait3A_39 = arith.constant 0 : i32
      %dma_wait3A_40 = tpu.memref_slice %arg4[%add3A_18, %dma_wait3A_39] : memref<16384x256xf32, #tpu.memory_space<hbm>> -> memref<128x256xf32, #tpu.memory_space<hbm>>
      tpu.wait_dma2 semaphore(%run_scoped3A : memref<!tpu.dma_semaphore, #tpu.memory_space<semaphore_mem>>) src(%arg6 : memref<128x256xf32, #tpu.memory_space<vmem>>) dst(%dma_wait3A_40 : memref<128x256xf32, #tpu.memory_space<hbm>>)
      tpu.yield
    }) : () -> ()
    %add3A_25 = arith.constant 384 : i32
    %add3A_26 = arith.addi %multiple_of3A, %add3A_25 : i32
    "tpu.region"() ({
      %run_scoped3A = tpu.sem_alloc : memref<!tpu.dma_semaphore, #tpu.memory_space<semaphore_mem>>
      %dma_start3A_33 = tpu.memref_slice %arg3[%add3A_26] : memref<16384xi32, #tpu.memory_space<hbm>> -> memref<128xi32, #tpu.memory_space<hbm>>
      %dma_start3A_34 = tpu.memref_slice %arg3[%add3A_26] : memref<16384xi32, #tpu.memory_space<hbm>> -> memref<128xi32, #tpu.memory_space<hbm>>
      tpu.enqueue_dma source(%dma_start3A_34 : memref<128xi32, #tpu.memory_space<hbm>>) target(%arg5 : memref<128xi32, #tpu.memory_space<vmem>>) target_semaphore(%run_scoped3A : memref<!tpu.dma_semaphore, #tpu.memory_space<semaphore_mem>>)
      %dma_wait3A_35 = tpu.memref_slice %arg3[%add3A_26] : memref<16384xi32, #tpu.memory_space<hbm>> -> memref<128xi32, #tpu.memory_space<hbm>>
      %dma_wait3A_36 = tpu.memref_slice %arg3[%add3A_26] : memref<16384xi32, #tpu.memory_space<hbm>> -> memref<128xi32, #tpu.memory_space<hbm>>
      tpu.wait_dma2 semaphore(%run_scoped3A : memref<!tpu.dma_semaphore, #tpu.memory_space<semaphore_mem>>) src(%dma_wait3A_36 : memref<128xi32, #tpu.memory_space<hbm>>) dst(%arg5 : memref<128xi32, #tpu.memory_space<vmem>>)
      tpu.yield
    }) : () -> ()
    %dma_start3A_27 = arith.constant 0 : i32
    %dma_start3A_28 = arith.constant 0 : i32
    %dma_start3A_29 = tpu.memref_slice %arg2[%dma_start3A_27, %dma_start3A_28] : memref<8192x256xf32, #tpu.memory_space<hbm>> -> memref<8192x256xf32, #tpu.memory_space<hbm>>
    tpu.enqueue_indirect_dma source(%dma_start3A_29 : memref<8192x256xf32, #tpu.memory_space<hbm>>) target(%arg6 : memref<128x256xf32, #tpu.memory_space<vmem>>) offsets(%arg5 : memref<128xi32, #tpu.memory_space<vmem>>) semaphore(%arg7 : memref<!tpu.dma_semaphore, #tpu.memory_space<semaphore_mem>>)
    %dma_wait3A_30 = arith.constant 0 : i32
    %dma_wait3A_31 = arith.constant 0 : i32
    %dma_wait3A_32 = tpu.memref_slice %arg2[%dma_wait3A_30, %dma_wait3A_31] : memref<8192x256xf32, #tpu.memory_space<hbm>> -> memref<8192x256xf32, #tpu.memory_space<hbm>>
    tpu.wait_indirect_dma semaphore(%arg7 : memref<!tpu.dma_semaphore, #tpu.memory_space<semaphore_mem>>) src(%dma_wait3A_32 : memref<8192x256xf32, #tpu.memory_space<hbm>>) dst(%arg6 : memref<128x256xf32, #tpu.memory_space<vmem>>)
    "tpu.region"() ({
      %run_scoped3A = tpu.sem_alloc : memref<!tpu.dma_semaphore, #tpu.memory_space<semaphore_mem>>
      %dma_start3A_33 = arith.constant 0 : i32
      %dma_start3A_34 = tpu.memref_slice %arg4[%add3A_26, %dma_start3A_33] : memref<16384x256xf32, #tpu.memory_space<hbm>> -> memref<128x256xf32, #tpu.memory_space<hbm>>
      %dma_start3A_35 = arith.constant 0 : i32
      %dma_start3A_36 = tpu.memref_slice %arg4[%add3A_26, %dma_start3A_35] : memref<16384x256xf32, #tpu.memory_space<hbm>> -> memref<128x256xf32, #tpu.memory_space<hbm>>
      tpu.enqueue_dma source(%arg6 : memref<128x256xf32, #tpu.memory_space<vmem>>) target(%dma_start3A_36 : memref<128x256xf32, #tpu.memory_space<hbm>>) target_semaphore(%run_scoped3A : memref<!tpu.dma_semaphore, #tpu.memory_space<semaphore_mem>>)
      %dma_wait3A_37 = arith.constant 0 : i32
      %dma_wait3A_38 = tpu.memref_slice %arg4[%add3A_26, %dma_wait3A_37] : memref<16384x256xf32, #tpu.memory_space<hbm>> -> memref<128x256xf32, #tpu.memory_space<hbm>>
      %dma_wait3A_39 = arith.constant 0 : i32
      %dma_wait3A_40 = tpu.memref_slice %arg4[%add3A_26, %dma_wait3A_39] : memref<16384x256xf32, #tpu.memory_space<hbm>> -> memref<128x256xf32, #tpu.memory_space<hbm>>
      tpu.wait_dma2 semaphore(%run_scoped3A : memref<!tpu.dma_semaphore, #tpu.memory_space<semaphore_mem>>) src(%arg6 : memref<128x256xf32, #tpu.memory_space<vmem>>) dst(%dma_wait3A_40 : memref<128x256xf32, #tpu.memory_space<hbm>>)
      tpu.yield
    }) : () -> ()
    return
  }
}

</mosaic_0001>

<sc_bundles>
// kernel: kernel.3.cloned.1.call-start
scs
__scs_entry_jumppad:
0x0: {  	(pc) =	sbr.rel $0x88, $3  }
0x1: {  	(tag) =	ssettag $0x0;
	lr =	simm.s32 $0x1  }
0x2: {  	[smem:$0x3F9F] =	sst lr;
	_ =	strace $0xD0000000  }
0x3: {  	_ = 	snop  }
0x4: {  	_ = 	snop  }
0x5: {  	_ = 	snop  }
0x6: {  	_ = 	snop  }
0x7: {  	_ = 	snop  }
__scs_overlays_trampoline_lowered:
0x8: {  	[smem:$0x3FAE] =	sst s0  }
0x9: {  	[smem:$0x3FAF] =	sst s1  }
0xa: {  	[smem:$0x3FB0] =	sst s2  }
0xb: {  	[smem:$0x3FB1] =	sst s3  }
0xc: {  	[smem:$0x3FB2] =	sst s4  }
0xd: {  	[smem:$0x3FB3] =	sst s5  }
0xe: {  	[smem:$0x3FB4] =	sst s6  }
0xf: {  	[smem:$0x3FB5] =	sst s7  }
0x10: {  	[smem:$0x3FB6] =	sst s8  }
0x11: {  	[smem:$0x3FB7] =	sst s9;
	s0 =	simm.s32 @!p0 $0x0  }
0x12: {  	s1 =	sld [smem:$0x3F9D];
	s0 =	simm.s32 @p0 $0x1  }
0x13: {  	[smem:$0x3FB8] =	sst s0;
	s0 =	simm.s32 @!p1 $0x0  }
0x14: {  	s2 =	sld [smem:$0x3F9C];
	s0 =	simm.s32 @p1 $0x1  }
0x15: {  	[smem:$0x3FB9] =	sst s0;
	s0 =	simm.s32 @!p2 $0x0  }
0x16: {  	s3 =	sld [smem:$0x3FDB];
	s0 =	simm.s32 @p2 $0x1  }
0x17: {  	s4 =	simm.s32 $0x1BF5;
	[smem:$0x3FBB] =	sst s0  }
0x18: {  	s0 =	sld [smem:$0x3F9E];
	_ =	swait.ge [sflag:s4], $0x0  }
0x19: {  	s7 =	sld [smem:$0x3F9F]  }
0x1a: {  	s8 =	sadd.s32 $0xFFFFE003, lr  }
0x1b: {  	s9 =	sadd.s32 $0xFFFFFEF7, lr;
	s5 =	simm.s32 $0xFFFFFFFF;
	p2 =	slt.u32 s8, $0xFFFFF086  }
0x1c: {  	p1 =	slt.u32 s9, $0xF7A;
	s5 =	simm.s32 @!p2 $0x0  }
0x1d: {  	s5 =	simm.s32 @p1 $0x1;
	p0 =	seq.s32 s7, s2  }
0x1e: {  	s7 =	smul.u32 @!p0 $0xF7A, s2;
	p2 =	seq.s32 @!p0 s5, $0x0  }
0x1f: {  	s9 =	smul.u32 $0xF7A, s1;
	s8 =	simm.s32 @!p0 $0x1BF5;
	p2 =	por !p2, p0  }
0x20: {  	[sflag:s8] =	ssyncset.s32 @!p0 $0xFFFFF086;
	s6 =	sadd.s32 @!p0 s3, s7;
	s7 =	simm.s32 @!p0 $0x108  }
0x21: {  	s3 =	sadd.s32 s3, s9;
	s6 =	sadd.s32 @!p0 $0x88, s6;
	s7 =	simm.s32 @p2 $0x1082  }
0x22: {  	[simem:s7], [sflag:s8] =	dma.local @!p0 [hbm:s6], $0xF7A  }
0x23: {  	s9 =	sor.u32 $0xD0000000, s2;
	s6 =	simm.s32 $0x108;
	_ =	swait.ge @!p0 [sflag:s8], $0x0  }
0x24: {  	s3 =	sadd.s32 $0x88, s3;
	s6 =	simm.s32 @!p1 $0x1082;
	[sflag:s4] =	ssyncset.s32 $0xFFFFF086  }
0x25: {  	[simem:s6], [sflag:s4] =	dma.local [hbm:s3], $0xF7A  }
0x26: {  	[smem:$0x3F9F] =	sst s1;
	(tag) =	ssettag s2;
	_ =	strace s9  }
0x27: {  	s1 =	sld [smem:$0x3FAF]  }
0x28: {  	s2 =	sld [smem:$0x3FB0]  }
0x29: {  	s4 =	sld [smem:$0x3FB2]  }
0x2a: {  	p0 =	seq.s32 s5, $0x0;
	s5 =	sld [smem:$0x3FB3]  }
0x2b: {  	s6 =	sld [smem:$0x3FB4]  }
0x2c: {  	s7 =	sld [smem:$0x3FB5]  }
0x2d: {  	s3 =	simm.s32 $0x108;
	s8 =	sld [smem:$0x3FB6]  }
0x2e: {  	s3 =	simm.s32 @!p0 $0x1082;
	s9 =	sld [smem:$0x3FB7]  }
0x2f: {  	lr =	sadd.s32 s0, s3;
	s0 =	sld [smem:$0x3FAE]  }
0x30: {  	s3 =	sld [smem:$0x3FB1]  }
0x31: {  	[smem:$0x3FBA] =	sst s10  }
0x32: {  	s10 =	sld [smem:$0x3FB8];
	_ =	sdelay $0x3  }
0x33: {  	p0 =	seq.s32 s10, $0x1;
	s10 =	sld [smem:$0x3FBA];
	_ =	sdelay $0x3  }
0x34: {  	[smem:$0x3FBA] =	sst s10  }
0x35: {  	s10 =	sld [smem:$0x3FB9];
	_ =	sdelay $0x3  }
0x36: {  	p1 =	seq.s32 s10, $0x1;
	s10 =	sld [smem:$0x3FBA];
	_ =	sdelay $0x3  }
0x37: {  	[smem:$0x3FBA] =	sst s10  }
0x38: {  	s10 =	sld [smem:$0x3FBB]  }
0x39: {  	_ = 	snop;
	(pc) =	sbr.ind lr, $3  }
0x3a: {  	_ = 	snop  }
0x3b: {  	_ = 	snop  }
0x3c: {  	p2 =	seq.s32 s10, $0x1;
	s10 =	sld [smem:$0x3FBA]  }
0x3d: {  	_ =	shalt  }
0x3e: {  	_ =	shalt  }
0x3f: {  	_ =	shalt  }
0x40: {  	_ =	shalt  }
0x41: {  	_ =	shalt  }
0x42: {  	_ =	shalt  }
0x43: {  	_ =	shalt  }
0x44: {  	_ =	shalt  }
0x45: {  	_ =	shalt  }
0x46: {  	_ =	shalt  }
0x47: {  	_ =	shalt  }
0x48: {  	_ =	shalt  }
0x49: {  	_ =	shalt  }
0x4a: {  	_ =	shalt  }
0x4b: {  	_ =	shalt  }
0x4c: {  	_ =	shalt  }
0x4d: {  	_ =	shalt  }
0x4e: {  	_ =	shalt  }
0x4f: {  	_ =	shalt  }
0x50: {  	_ =	shalt  }
0x51: {  	_ =	shalt  }
0x52: {  	_ =	shalt  }
0x53: {  	_ =	shalt  }
0x54: {  	_ =	shalt  }
0x55: {  	_ =	shalt  }
0x56: {  	_ =	shalt  }
0x57: {  	_ =	shalt  }
0x58: {  	_ =	shalt  }
0x59: {  	_ =	shalt  }
0x5a: {  	_ =	shalt  }
0x5b: {  	_ =	shalt  }
0x5c: {  	_ =	shalt  }
0x5d: {  	_ =	shalt  }
0x5e: {  	_ =	shalt  }
0x5f: {  	_ =	shalt  }
0x60: {  	_ =	shalt  }
0x61: {  	_ =	shalt  }
0x62: {  	_ =	shalt  }
0x63: {  	_ =	shalt  }
0x64: {  	_ =	shalt  }
0x65: {  	_ =	shalt  }
0x66: {  	_ =	shalt  }
0x67: {  	_ =	shalt  }
0x68: {  	_ =	shalt  }
0x69: {  	_ =	shalt  }
0x6a: {  	_ =	shalt  }
0x6b: {  	_ =	shalt  }
0x6c: {  	_ =	shalt  }
0x6d: {  	_ =	shalt  }
0x6e: {  	_ =	shalt  }
0x6f: {  	_ =	shalt  }
0x70: {  	_ =	shalt  }
0x71: {  	_ =	shalt  }
0x72: {  	_ =	shalt  }
0x73: {  	_ =	shalt  }
0x74: {  	_ =	shalt  }
0x75: {  	_ =	shalt  }
0x76: {  	_ =	shalt  }
0x77: {  	_ =	shalt  }
0x78: {  	_ =	shalt  }
0x79: {  	_ =	shalt  }
0x7a: {  	_ =	shalt  }
0x7b: {  	_ =	shalt  }
0x7c: {  	_ =	shalt  }
0x7d: {  	_ =	shalt  }
0x7e: {  	_ =	shalt  }
0x7f: {  	_ =	shalt  }
0x80: {  	_ =	shalt  }
0x81: {  	_ =	shalt  }
0x82: {  	_ =	shalt  }
0x83: {  	_ =	shalt  }
0x84: {  	_ =	shalt  }
0x85: {  	_ =	shalt  }
0x86: {  	_ =	shalt  }
0x87: {  	_ =	shalt  }
.Lfunc_end0:
.L_simem_size_0:
called_computation.1_lowered:
.L_overlay_start_0:
0x88: {  	s2 =	sld [smem:$0x3FD9]  }
0x89: {  	s3 =	sld [smem:$0x3FFE];
	_ =	sdelay $0x1  }
0x8a: {  	s1 =	srdreg.scid  }
0x8b: {  	s0 =	sand.u32 $0x1, s1  }
0x8c: {  	s15 =	sshll.u32 s0, $0xA;
	s2 =	sadd.s32 s3, s2  }
0x8d: {  	s2 =	sadd.s32 s2, s15  }
0x8e: {  	[smem:$0x3FC6] =	sst s2  }
0x8f: {  	_ = 	snop  }
0x90: {  	s16 =	sld [smem:$0x3FD0];
	_ =	sdelay $0x2  }
0x91: {  	s4 =	simm.s32 $0xB;
	s5 =	simm.s32 $0x10;
	s2 =	sld [smem:$0x3FC8]  }
0x92: {  	[smem:s5], [sflag:s4] =	dma.local [hbm:s16], $0x1  }
0x93: {  	_ =	swait.eq [sflag:s4], $0x1  }
0x94: {  	[sflag:s4] =	ssyncset.done $0x0  }
0x95: {  	[sflag:s4] =	ssyncadd.s32 $0xFFFFFFFF  }
0x96: {  	s17 =	sld [smem:$0x10];
	(tm) =	ssettm $0x1  }
0x97: {  	s18 =	sld [smem:$0x3FFB];
	_ =	sdelay $0x3  }
0x98: {  	_ =	strace s18  }
0x99: {  	s3 =	sld [smem:$0x3FFC];
	_ =	sdelay $0x3  }
0x9a: {  	_ =	strace s3  }
0x9b: {  	s3 =	sld [smem:$0x3FFD];
	_ =	sdelay $0x3  }
0x9c: {  	_ =	strace s3  }
0x9d: {  	_ =	strace $0x8FFFFFFF  }
0x9e: {  	s19 =	sld [smem:$0x3FDB];
	_ =	sdelay $0x1  }
0x9f: {  	s20 =	simm.s32 $_scs_section_size  }
0xa0: {  	s6 =	simm.s32 $_size__tile_overlayer_lowered;
	s7 =	simm.s32 $_tile_overlayer_lowered  }
0xa1: {  	s8 =	simm.s32 $0x1BFF;
	s21 =	sshll.u32 s7, $0x1;
	s5 =	sadd.s32 s20, s19  }
0xa2: {  	s22 =	simm.s32 $0x0;
	s6 =	sshll.u32 s6, $0x1;
	s7 =	sadd.s32 s21, s5  }
0xa3: {  	[timem:s22], [sflag:s8] =	dma.local [hbm:s7], s6  }
0xa4: {  	_ =	swait.ge [sflag:s8], s6  }
0xa5: {  	s6 =	ssub.s32 $0x0, s6;
	[sflag:s8] =	ssyncset.done $0x0  }
0xa6: {  	[sflag:s8] =	ssyncadd.s32 s6;
	_ =	sdelay $0x1  }
0xa7: {  	s23 =	simm.s32 $0x1B8B  }
0xa8: {  	_ =	swait.ge [sflag:s23], $0x1  }
0xa9: {  	[sflag:s23] =	ssyncset.done $0x0  }
0xaa: {  	[sflag:s23] =	ssyncadd.s32 $0xFFFFFFFF  }
0xab: {  	s6 =	sld [smem:$0x0]  }
0xac: {  	s7 =	sand.u32 $0xFFFFFFFE, s1  }
0xad: {  	p0 =	sne.s32 s1, s7  }
0xae: {  	s7 =	sshll.u32 @p0 s7, $0xE  }
0xaf: {  	s7 =	sadd.s32 @p0 $0x11B8D, s7;
	s8 =	sshll.u32 @p0 s6, $0x11  }
0xb0: {  	s7 =	sor.u32 @p0 s8, s7  }
0xb1: {  	[sflag:s7] =	ssyncadd.remote.s32 @p0 $0x1;
	_ =	sdelay $0x1  }
0xb2: {  	s7 =	simm.s32 @p0 $0x1B8D  }
0xb3: {  	_ =	swait.eq @p0 [sflag:s7], $0x1  }
0xb4: {  	[sflag:s7] =	ssyncadd.s32 @p0 $0xFFFFFFFF  }
0xb5: {  	s8 =	sshll.u32 @!p0 s1, $0xE  }
0xb6: {  	s8 =	sor.u32 @!p0 $0x4000, s8;
	s7 =	simm.s32 @!p0 $0x1B8D  }
0xb7: {  	s6 =	sshll.u32 @!p0 s6, $0x11;
	s8 =	sadd.s32 @!p0 $0x11B8D, s8;
	_ =	swait.eq @!p0 [sflag:s7], $0x1  }
0xb8: {  	s6 =	sor.u32 @!p0 s6, s8;
	[sflag:s7] =	ssyncadd.s32 @!p0 $0xFFFFFFFF  }
0xb9: {  	s25 =	simm.s32 $0x1B8E;
	s24 =	sld [smem:$0x3FFE];
	[sflag:s6] =	ssyncadd.remote.s32 @!p0 $0x1  }
0xba: {  	s26 =	simm.s32 $execute0_lowered;
	[smem:$0x3FD2] =	sst s25  }
0xbb: {  	s7 =	sshll.u32 s26, $0x1;
	_ =	strace $0x80000049;
	[dreg:$0x1] =	wrdreg $0xFFFFFFFF  }
0xbc: {  	s28 =	simm.s32 $_size_execute0_lowered;
	s5 =	sadd.s32 s5, s7;
	[dreg:$0x0] =	wrdreg $0x0  }
0xbd: {  	s7 =	sshll.u32 s28, $0x1;
	[dreg:$0x2] =	wrdreg s5  }
0xbe: {  	[dreg:$0x3] =	wrdreg s7  }
0xbf: {  	[dreg:$0x4] =	wrdreg $0xC0  }
0xc0: {  	_ =	task [dreg:s22], $0x5FFFF  }
0xc1: {  	[dreg:$0x1] =	wrdreg $0xFFFFFFFF  }
0xc2: {  	[dreg:$0x0] =	wrdreg $0x60  }
0xc3: {  	[dreg:$0x2] =	wrdreg s2  }
0xc4: {  	[dreg:$0x3] =	wrdreg s24  }
0xc5: {  	[dreg:$0x4] =	wrdreg s17  }
0xc6: {  	[dreg:$0x5] =	wrdreg $0xA  }
0xc7: {  	_ =	task.clear_ibuf [dreg:s22], $0x6FFFF;
	_ =	strace $0x90000049  }
0xc8: {  	s29 =	simm.s32 $0xA;
	_ =	strace $0x8000004B  }
0xc9: {  	_ =	swait.ge [sflag:s29], $0x1  }
0xca: {  	[sflag:s29] =	ssyncadd.s32 $0xFFFFFFFF  }
0xcb: {  	_ =	strace $0x9000004B  }
0xcc: {  	_ =	sfence  }
0xcd: {  	s30 =	sld [smem:$0x0];
	_ =	sdelay $0x2  }
0xce: {  	s31 =	sshll.u32 s1, $0xD;
	s1 =	sshrl.u32 s1, $0x2  }
0xcf: {  	s4 =	sand.u32 $0x4000, s31;
	s1 =	sadd.s32 s1, s30  }
0xd0: {  	s0 =	sor.u32 s4, s0;
	s1 =	sshll.u32 s1, $0x11  }
0xd1: {  	s0 =	sor.u32 s1, s0  }
0xd2: {  	s0 =	sadd.s32 $0x8F2B, s0  }
0xd3: {  	[sflag:s0] =	ssyncadd.remote.s32 $0x1  }
0xd4: {  	_ =	sfence.sel $0xFFFF  }
0xd5: {  	[dreg:$0x0] =	wrdreg $0xFFFFFFFF;
	(pc) =	sbr.abs _section_cstart, $3  }
0xd6: {  	[dreg:$0x1] =	wrdreg $0xFFFFFFFF  }
0xd7: {  	_ =	task.clear_ibuf [dreg:s22], $0x2FFFF;
	_ =	strace $0x9FFFFFFF  }
0xd8: {  	(tm) =	ssettm $0x7FFFFFFF  }
0xd9: {  	_ =	shalt  }
tec
execute0_lowered:
.L_overlay_start_1:
0x0: {  	(tag) =	ssettag $0x1  }
0x1: {  	s1 =	rddreg [dreg:$0x0]  }
0x2: {  	s10 =	rddreg [dreg:$0x1]  }
0x3: {  	s11 =	rddreg [dreg:$0x2]  }
0x4: {  	s0 =	rddreg [dreg:$0x3];
	s3 =	simm.s32 $0x0;
	s4 =	srdreg.scid  }
0x5: {  	s2 =	stileid.u32;
	s15 =	simm.s32 $0x880;
	s16 =	simm.s32 $0x1080  }
0x6: {  	s17 =	simm.s32 $0x1880;
	s18 =	simm.s32 $0x2080;
	s19 =	simm.s32 $0x2880  }
0x7: {  	s20 =	simm.s32 $0x3080;
	s21 =	simm.s32 $0x3880;
	s22 =	simm.s32 $0x4080  }
0x8: {  	s28 =	simm.s32 $0x6880;
	s29 =	simm.s32 $0x7080;
	s30 =	simm.s32 $0x7880  }
0x9: {  	s31 =	simm.s32 $0x1;
	[smem:$0x7FF] =	sst s3;
	s4 =	sand.u32 $0x1, s4  }
0xa: {  	s6 =	sshll.u32 s2, $0xA;
	s5 =	ssub.s32 $0x2, s4;
	s4 =	sshll.u32 s4, $0x9  }
0xb: {  	_ =	strace $0x8000004A;
	s7 =	sshrl.u32 s5, $0x1;
	s9 =	sor.u32 s4, s6  }
0xc: {  	s12 =	ssub.s32 s5, s7;
	s4 =	sshrl.u32 s9, $0x3;
	s23 =	sshll.u32 s9, $0x5  }
0xd: {  	s6 =	sor.u32 $0x80, s9;
	s13 =	sor.u32 $0x100, s9;
	s14 =	sor.u32 $0x180, s9  }
0xe: {  	s4 =	sadd.s32 s10, s4;
	s5 =	sadd.s32 s11, s23;
	s24 =	sshrl.u32 s6, $0x3  }
0xf: {  	s8 =	sshll.u32 s6, $0x5;
	s25 =	sshrl.u32 s13, $0x3;
	s13 =	sshll.u32 s13, $0x5  }
0x10: {  	s26 =	sshrl.u32 s14, $0x3;
	s14 =	sshll.u32 s14, $0x5;
	s12 =	smax.u32 s12, $0x1  }
0x11: {  	s23 =	simm.s32 $0x4880;
	s6 =	sadd.s32 s10, s24;
	s7 =	sadd.s32 s11, s8  }
0x12: {  	v2 =	vlaneseq.u32;
	s8 =	sadd.s32 s10, s25;
	s9 =	sadd.s32 s11, s13;
	s10 =	sadd.s32 s10, s26  }
0x13: {  	vm0 =	vmmov $0xffff;
	v1 =	vshrl.u32 v2, $0x3;
	s11 =	sadd.s32 s11, s14;
	s13 =	simm.s32 $0x2;
	s14 =	simm.s32 $0x80  }
0x14: {  	v0 =	vand.u32 $0x7, v2;
	v2 =	vor.u32 $0x8, v2;
	v1 =	vmul.u32 $0x8, v1;
	s24 =	simm.s32 $0x5080;
	s25 =	simm.s32 $0x5880;
	s26 =	simm.s32 $0x6080  }
.LBB2_1:
0x15: {  	[tilespmem:s3], [sflag:$0x2] =	stream.linear.gather [hbm4b:s4+s3], $0x80, $0x38;
	[tilespmem:$0x8080] =	vst v63  }
0x16: {  	_ =	swait.ge [sflag:s13], $0x80  }
0x17: {  	[sflag:s13] =	ssyncset.done $0x0  }
0x18: {  	[sflag:s13] =	ssyncadd.s32 $0xFFFFFF80  }
0x19: {  	v3 =	vld [tilespmem:$0x0];
	_ =	sdelay $0x4  }
0x1a: {  	v4 =	vshll.u32 v3, $0x1  }
0x1b: {  	v3 =	vand.u32 $0x7, v3;
	v4 =	vand.u32 $0xFFFFFFF0, v4  }
0x1c: {  	v3 =	vor.u32 v3, v4  }
0x1d: {  	v4 =	vperm.xlane v3, v0;
	_ =	sdelay $0x1  }
0x1e: {  	v3 =	vperm.xlane v3, v2;
	v4 =	vadd.s32 v1, v4;
	_ =	sdelay $0x1  }
0x1f: {  	v3 =	vadd.s32 v1, v3;
	_ =	sdelay $0x2  }
0x20: {  	[tilespmem:s14], [sflag:$0x1] =	stream.indirect_vreg.gather [hbm4b:s1+s3], $0x80, v4, vm0, $0xb8;
	[tilespmem:$0x8080] =	vst v63  }
0x21: {  	_ = 	snop  }
0x22: {  	[tilespmem:s15], [sflag:$0x1] =	stream.indirect_vreg.gather [hbm4b:s1+s3], $0x80, v3, vm0, $0xb8;
	[tilespmem:$0x8080] =	vst v63  }
0x23: {  	v3 =	vld [tilespmem:$0x10];
	_ =	sdelay $0x4  }
0x24: {  	v33 =	vshll.u32 v3, $0x1  }
0x25: {  	v3 =	vand.u32 $0x7, v3;
	v4 =	vand.u32 $0xFFFFFFF0, v33  }
0x26: {  	v3 =	vor.u32 v3, v4  }
0x27: {  	v4 =	vperm.xlane v3, v0;
	_ =	sdelay $0x1  }
0x28: {  	v3 =	vperm.xlane v3, v2;
	v4 =	vadd.s32 v1, v4;
	_ =	sdelay $0x1  }
0x29: {  	v3 =	vadd.s32 v1, v3;
	_ =	sdelay $0x2  }
0x2a: {  	[tilespmem:s16], [sflag:$0x1] =	stream.indirect_vreg.gather [hbm4b:s1+s3], $0x80, v4, vm0, $0xb8;
	[tilespmem:$0x8080] =	vst v63  }
0x2b: {  	_ = 	snop  }
0x2c: {  	[tilespmem:s17], [sflag:$0x1] =	stream.indirect_vreg.gather [hbm4b:s1+s3], $0x80, v3, vm0, $0xb8;
	[tilespmem:$0x8080] =	vst v63  }
0x2d: {  	v3 =	vld [tilespmem:$0x20];
	_ =	sdelay $0x4  }
0x2e: {  	v34 =	vshll.u32 v3, $0x1  }
0x2f: {  	v3 =	vand.u32 $0x7, v3;
	v4 =	vand.u32 $0xFFFFFFF0, v34  }
0x30: {  	v3 =	vor.u32 v3, v4  }
0x31: {  	v4 =	vperm.xlane v3, v0;
	_ =	sdelay $0x1  }
0x32: {  	v3 =	vperm.xlane v3, v2;
	v4 =	vadd.s32 v1, v4;
	_ =	sdelay $0x1  }
0x33: {  	v3 =	vadd.s32 v1, v3;
	_ =	sdelay $0x2  }
0x34: {  	[tilespmem:s18], [sflag:$0x1] =	stream.indirect_vreg.gather [hbm4b:s1+s3], $0x80, v4, vm0, $0xb8;
	[tilespmem:$0x8080] =	vst v63  }
0x35: {  	_ = 	snop  }
0x36: {  	[tilespmem:s19], [sflag:$0x1] =	stream.indirect_vreg.gather [hbm4b:s1+s3], $0x80, v3, vm0, $0xb8;
	[tilespmem:$0x8080] =	vst v63  }
0x37: {  	v3 =	vld [tilespmem:$0x30];
	_ =	sdelay $0x4  }
0x38: {  	v35 =	vshll.u32 v3, $0x1  }
0x39: {  	v3 =	vand.u32 $0x7, v3;
	v4 =	vand.u32 $0xFFFFFFF0, v35  }
0x3a: {  	v3 =	vor.u32 v3, v4  }
0x3b: {  	v4 =	vperm.xlane v3, v0;
	_ =	sdelay $0x1  }
0x3c: {  	v3 =	vperm.xlane v3, v2;
	v4 =	vadd.s32 v1, v4;
	_ =	sdelay $0x1  }
0x3d: {  	v3 =	vadd.s32 v1, v3;
	_ =	sdelay $0x2  }
0x3e: {  	[tilespmem:s20], [sflag:$0x1] =	stream.indirect_vreg.gather [hbm4b:s1+s3], $0x80, v4, vm0, $0xb8;
	[tilespmem:$0x8080] =	vst v63  }
0x3f: {  	_ = 	snop  }
0x40: {  	[tilespmem:s21], [sflag:$0x1] =	stream.indirect_vreg.gather [hbm4b:s1+s3], $0x80, v3, vm0, $0xb8;
	[tilespmem:$0x8080] =	vst v63  }
0x41: {  	v3 =	vld [tilespmem:$0x40];
	_ =	sdelay $0x4  }
0x42: {  	v36 =	vshll.u32 v3, $0x1  }
0x43: {  	v3 =	vand.u32 $0x7, v3;
	v4 =	vand.u32 $0xFFFFFFF0, v36  }
0x44: {  	v3 =	vor.u32 v3, v4  }
0x45: {  	v4 =	vperm.xlane v3, v0;
	_ =	sdelay $0x1  }
0x46: {  	v3 =	vperm.xlane v3, v2;
	v4 =	vadd.s32 v1, v4;
	_ =	sdelay $0x1  }
0x47: {  	v3 =	vadd.s32 v1, v3;
	_ =	sdelay $0x2  }
0x48: {  	[tilespmem:s22], [sflag:$0x1] =	stream.indirect_vreg.gather [hbm4b:s1+s3], $0x80, v4, vm0, $0xb8;
	[tilespmem:$0x8080] =	vst v63  }
0x49: {  	_ = 	snop  }
0x4a: {  	[tilespmem:s23], [sflag:$0x1] =	stream.indirect_vreg.gather [hbm4b:s1+s3], $0x80, v3, vm0, $0xb8;
	[tilespmem:$0x8080] =	vst v63  }
0x4b: {  	v3 =	vld [tilespmem:$0x50];
	_ =	sdelay $0x4  }
0x4c: {  	v37 =	vshll.u32 v3, $0x1  }
0x4d: {  	v3 =	vand.u32 $0x7, v3;
	v4 =	vand.u32 $0xFFFFFFF0, v37  }
0x4e: {  	v3 =	vor.u32 v3, v4  }
0x4f: {  	v4 =	vperm.xlane v3, v0;
	_ =	sdelay $0x1  }
0x50: {  	v3 =	vperm.xlane v3, v2;
	v4 =	vadd.s32 v1, v4;
	_ =	sdelay $0x1  }
0x51: {  	v3 =	vadd.s32 v1, v3;
	_ =	sdelay $0x2  }
0x52: {  	[tilespmem:s24], [sflag:$0x1] =	stream.indirect_vreg.gather [hbm4b:s1+s3], $0x80, v4, vm0, $0xb8;
	[tilespmem:$0x8080] =	vst v63  }
0x53: {  	_ = 	snop  }
0x54: {  	[tilespmem:s25], [sflag:$0x1] =	stream.indirect_vreg.gather [hbm4b:s1+s3], $0x80, v3, vm0, $0xb8;
	[tilespmem:$0x8080] =	vst v63  }
0x55: {  	v3 =	vld [tilespmem:$0x60];
	_ =	sdelay $0x4  }
0x56: {  	v38 =	vshll.u32 v3, $0x1  }
0x57: {  	v3 =	vand.u32 $0x7, v3;
	v4 =	vand.u32 $0xFFFFFFF0, v38  }
0x58: {  	v3 =	vor.u32 v3, v4  }
0x59: {  	v4 =	vperm.xlane v3, v0;
	_ =	sdelay $0x1  }
0x5a: {  	v3 =	vperm.xlane v3, v2;
	v4 =	vadd.s32 v1, v4;
	_ =	sdelay $0x1  }
0x5b: {  	v3 =	vadd.s32 v1, v3;
	_ =	sdelay $0x2  }
0x5c: {  	[tilespmem:s26], [sflag:$0x1] =	stream.indirect_vreg.gather [hbm4b:s1+s3], $0x80, v4, vm0, $0xb8;
	[tilespmem:$0x8080] =	vst v63  }
0x5d: {  	_ = 	snop  }
0x5e: {  	[tilespmem:s28], [sflag:$0x1] =	stream.indirect_vreg.gather [hbm4b:s1+s3], $0x80, v3, vm0, $0xb8;
	[tilespmem:$0x8080] =	vst v63  }
0x5f: {  	v3 =	vld [tilespmem:$0x70];
	_ =	sdelay $0x4  }
0x60: {  	v39 =	vshll.u32 v3, $0x1  }
0x61: {  	v3 =	vand.u32 $0x7, v3;
	v4 =	vand.u32 $0xFFFFFFF0, v39  }
0x62: {  	v3 =	vor.u32 v3, v4  }
0x63: {  	v4 =	vperm.xlane v3, v0;
	_ =	sdelay $0x1  }
0x64: {  	v3 =	vperm.xlane v3, v2;
	v4 =	vadd.s32 v1, v4;
	_ =	sdelay $0x1  }
0x65: {  	v3 =	vadd.s32 v1, v3;
	_ =	sdelay $0x2  }
0x66: {  	[tilespmem:s29], [sflag:$0x1] =	stream.indirect_vreg.gather [hbm4b:s1+s3], $0x80, v4, vm0, $0xb8;
	[tilespmem:$0x8080] =	vst v63  }
0x67: {  	_ = 	snop  }
0x68: {  	[tilespmem:s30], [sflag:$0x1] =	stream.indirect_vreg.gather [hbm4b:s1+s3], $0x80, v3, vm0, $0xb8;
	[tilespmem:$0x8080] =	vst v63  }
0x69: {  	_ =	swait.ge [sflag:s31], $0x8000  }
0x6a: {  	[sflag:s31] =	ssyncset.done $0x0  }
0x6b: {  	[sflag:s31] =	ssyncadd.s32 $0xFFFF8000  }
0x6c: {  	[hbm4b:s5+s3] =	stream.linear.scatter [tilespmem:s14], [sflag:$0x2], $0x8000, $0x38;
	[tilespmem:$0x8080] =	vst v63  }
0x6d: {  	_ =	swait.ge [sflag:s13], $0x8000  }
0x6e: {  	[sflag:s13] =	ssyncset.done $0x0  }
0x6f: {  	[sflag:s13] =	ssyncadd.s32 $0xFFFF8000  }
0x70: {  	[tilespmem:s3], [sflag:$0x2] =	stream.linear.gather [hbm4b:s6+s3], $0x80, $0x38;
	[tilespmem:$0x8080] =	vst v63  }
0x71: {  	_ =	swait.ge [sflag:s13], $0x80  }
0x72: {  	[sflag:s13] =	ssyncset.done $0x0  }
0x73: {  	[sflag:s13] =	ssyncadd.s32 $0xFFFFFF80  }
0x74: {  	v3 =	vld [tilespmem:$0x0];
	_ =	sdelay $0x4  }
0x75: {  	v40 =	vshll.u32 v3, $0x1  }
0x76: {  	v3 =	vand.u32 $0x7, v3;
	v4 =	vand.u32 $0xFFFFFFF0, v40  }
0x77: {  	v3 =	vor.u32 v3, v4  }
0x78: {  	v4 =	vperm.xlane v3, v0;
	_ =	sdelay $0x1  }
0x79: {  	v3 =	vperm.xlane v3, v2;
	v4 =	vadd.s32 v1, v4;
	_ =	sdelay $0x1  }
0x7a: {  	v3 =	vadd.s32 v1, v3;
	_ =	sdelay $0x2  }
0x7b: {  	[tilespmem:s14], [sflag:$0x1] =	stream.indirect_vreg.gather [hbm4b:s1+s3], $0x80, v4, vm0, $0xb8;
	[tilespmem:$0x8080] =	vst v63  }
0x7c: {  	_ = 	snop  }
0x7d: {  	[tilespmem:s15], [sflag:$0x1] =	stream.indirect_vreg.gather [hbm4b:s1+s3], $0x80, v3, vm0, $0xb8;
	[tilespmem:$0x8080] =	vst v63  }
0x7e: {  	v3 =	vld [tilespmem:$0x10];
	_ =	sdelay $0x4  }
0x7f: {  	v41 =	vshll.u32 v3, $0x1  }
0x80: {  	v3 =	vand.u32 $0x7, v3;
	v4 =	vand.u32 $0xFFFFFFF0, v41  }
0x81: {  	v3 =	vor.u32 v3, v4  }
0x82: {  	v4 =	vperm.xlane v3, v0;
	_ =	sdelay $0x1  }
0x83: {  	v3 =	vperm.xlane v3, v2;
	v4 =	vadd.s32 v1, v4;
	_ =	sdelay $0x1  }
0x84: {  	v3 =	vadd.s32 v1, v3;
	_ =	sdelay $0x2  }
0x85: {  	[tilespmem:s16], [sflag:$0x1] =	stream.indirect_vreg.gather [hbm4b:s1+s3], $0x80, v4, vm0, $0xb8;
	[tilespmem:$0x8080] =	vst v63  }
0x86: {  	_ = 	snop  }
0x87: {  	[tilespmem:s17], [sflag:$0x1] =	stream.indirect_vreg.gather [hbm4b:s1+s3], $0x80, v3, vm0, $0xb8;
	[tilespmem:$0x8080] =	vst v63  }
0x88: {  	v3 =	vld [tilespmem:$0x20];
	_ =	sdelay $0x4  }
0x89: {  	v42 =	vshll.u32 v3, $0x1  }
0x8a: {  	v3 =	vand.u32 $0x7, v3;
	v4 =	vand.u32 $0xFFFFFFF0, v42  }
0x8b: {  	v3 =	vor.u32 v3, v4  }
0x8c: {  	v4 =	vperm.xlane v3, v0;
	_ =	sdelay $0x1  }
0x8d: {  	v3 =	vperm.xlane v3, v2;
	v4 =	vadd.s32 v1, v4;
	_ =	sdelay $0x1  }
0x8e: {  	v3 =	vadd.s32 v1, v3;
	_ =	sdelay $0x2  }
0x8f: {  	[tilespmem:s18], [sflag:$0x1] =	stream.indirect_vreg.gather [hbm4b:s1+s3], $0x80, v4, vm0, $0xb8;
	[tilespmem:$0x8080] =	vst v63  }
0x90: {  	_ = 	snop  }
0x91: {  	[tilespmem:s19], [sflag:$0x1] =	stream.indirect_vreg.gather [hbm4b:s1+s3], $0x80, v3, vm0, $0xb8;
	[tilespmem:$0x8080] =	vst v63  }
0x92: {  	v3 =	vld [tilespmem:$0x30];
	_ =	sdelay $0x4  }
0x93: {  	v43 =	vshll.u32 v3, $0x1  }
0x94: {  	v3 =	vand.u32 $0x7, v3;
	v4 =	vand.u32 $0xFFFFFFF0, v43  }
0x95: {  	v3 =	vor.u32 v3, v4  }
0x96: {  	v4 =	vperm.xlane v3, v0;
	_ =	sdelay $0x1  }
0x97: {  	v3 =	vperm.xlane v3, v2;
	v4 =	vadd.s32 v1, v4;
	_ =	sdelay $0x1  }
0x98: {  	v3 =	vadd.s32 v1, v3;
	_ =	sdelay $0x2  }
0x99: {  	[tilespmem:s20], [sflag:$0x1] =	stream.indirect_vreg.gather [hbm4b:s1+s3], $0x80, v4, vm0, $0xb8;
	[tilespmem:$0x8080] =	vst v63  }
0x9a: {  	_ = 	snop  }
0x9b: {  	[tilespmem:s21], [sflag:$0x1] =	stream.indirect_vreg.gather [hbm4b:s1+s3], $0x80, v3, vm0, $0xb8;
	[tilespmem:$0x8080] =	vst v63  }
0x9c: {  	v3 =	vld [tilespmem:$0x40];
	_ =	sdelay $0x4  }
0x9d: {  	v44 =	vshll.u32 v3, $0x1  }
0x9e: {  	v3 =	vand.u32 $0x7, v3;
	v4 =	vand.u32 $0xFFFFFFF0, v44  }
0x9f: {  	v3 =	vor.u32 v3, v4  }
0xa0: {  	v4 =	vperm.xlane v3, v0;
	_ =	sdelay $0x1  }
0xa1: {  	v3 =	vperm.xlane v3, v2;
	v4 =	vadd.s32 v1, v4;
	_ =	sdelay $0x1  }
0xa2: {  	v3 =	vadd.s32 v1, v3;
	_ =	sdelay $0x2  }
0xa3: {  	[tilespmem:s22], [sflag:$0x1] =	stream.indirect_vreg.gather [hbm4b:s1+s3], $0x80, v4, vm0, $0xb8;
	[tilespmem:$0x8080] =	vst v63  }
0xa4: {  	_ = 	snop  }
0xa5: {  	[tilespmem:s23], [sflag:$0x1] =	stream.indirect_vreg.gather [hbm4b:s1+s3], $0x80, v3, vm0, $0xb8;
	[tilespmem:$0x8080] =	vst v63  }
0xa6: {  	v3 =	vld [tilespmem:$0x50];
	_ =	sdelay $0x4  }
0xa7: {  	v45 =	vshll.u32 v3, $0x1  }
0xa8: {  	v3 =	vand.u32 $0x7, v3;
	v4 =	vand.u32 $0xFFFFFFF0, v45  }
0xa9: {  	v3 =	vor.u32 v3, v4  }
0xaa: {  	v4 =	vperm.xlane v3, v0;
	_ =	sdelay $0x1  }
0xab: {  	v3 =	vperm.xlane v3, v2;
	v4 =	vadd.s32 v1, v4;
	_ =	sdelay $0x1  }
0xac: {  	v3 =	vadd.s32 v1, v3;
	_ =	sdelay $0x2  }
0xad: {  	[tilespmem:s24], [sflag:$0x1] =	stream.indirect_vreg.gather [hbm4b:s1+s3], $0x80, v4, vm0, $0xb8;
	[tilespmem:$0x8080] =	vst v63  }
0xae: {  	_ = 	snop  }
0xaf: {  	[tilespmem:s25], [sflag:$0x1] =	stream.indirect_vreg.gather [hbm4b:s1+s3], $0x80, v3, vm0, $0xb8;
	[tilespmem:$0x8080] =	vst v63  }
0xb0: {  	v3 =	vld [tilespmem:$0x60];
	_ =	sdelay $0x4  }
0xb1: {  	v46 =	vshll.u32 v3, $0x1  }
0xb2: {  	v3 =	vand.u32 $0x7, v3;
	v4 =	vand.u32 $0xFFFFFFF0, v46  }
0xb3: {  	v3 =	vor.u32 v3, v4  }
0xb4: {  	v4 =	vperm.xlane v3, v0;
	_ =	sdelay $0x1  }
0xb5: {  	v3 =	vperm.xlane v3, v2;
	v4 =	vadd.s32 v1, v4;
	_ =	sdelay $0x1  }
0xb6: {  	v3 =	vadd.s32 v1, v3;
	_ =	sdelay $0x2  }
0xb7: {  	[tilespmem:s26], [sflag:$0x1] =	stream.indirect_vreg.gather [hbm4b:s1+s3], $0x80, v4, vm0, $0xb8;
	[tilespmem:$0x8080] =	vst v63  }
0xb8: {  	_ = 	snop  }
0xb9: {  	[tilespmem:s28], [sflag:$0x1] =	stream.indirect_vreg.gather [hbm4b:s1+s3], $0x80, v3, vm0, $0xb8;
	[tilespmem:$0x8080] =	vst v63  }
0xba: {  	v3 =	vld [tilespmem:$0x70];
	_ =	sdelay $0x4  }
0xbb: {  	v47 =	vshll.u32 v3, $0x1  }
0xbc: {  	v3 =	vand.u32 $0x7, v3;
	v4 =	vand.u32 $0xFFFFFFF0, v47  }
0xbd: {  	v3 =	vor.u32 v3, v4  }
0xbe: {  	v4 =	vperm.xlane v3, v0;
	_ =	sdelay $0x1  }
0xbf: {  	v3 =	vperm.xlane v3, v2;
	v4 =	vadd.s32 v1, v4;
	_ =	sdelay $0x1  }
0xc0: {  	v3 =	vadd.s32 v1, v3;
	_ =	sdelay $0x2  }
0xc1: {  	[tilespmem:s29], [sflag:$0x1] =	stream.indirect_vreg.gather [hbm4b:s1+s3], $0x80, v4, vm0, $0xb8;
	[tilespmem:$0x8080] =	vst v63  }
0xc2: {  	_ = 	snop  }
0xc3: {  	[tilespmem:s30], [sflag:$0x1] =	stream.indirect_vreg.gather [hbm4b:s1+s3], $0x80, v3, vm0, $0xb8;
	[tilespmem:$0x8080] =	vst v63  }
0xc4: {  	_ =	swait.ge [sflag:s31], $0x8000  }
0xc5: {  	[sflag:s31] =	ssyncset.done $0x0  }
0xc6: {  	[sflag:s31] =	ssyncadd.s32 $0xFFFF8000  }
0xc7: {  	[hbm4b:s7+s3] =	stream.linear.scatter [tilespmem:s14], [sflag:$0x2], $0x8000, $0x38;
	[tilespmem:$0x8080] =	vst v63  }
0xc8: {  	_ =	swait.ge [sflag:s13], $0x8000  }
0xc9: {  	[sflag:s13] =	ssyncset.done $0x0  }
0xca: {  	[sflag:s13] =	ssyncadd.s32 $0xFFFF8000  }
0xcb: {  	[tilespmem:s3], [sflag:$0x2] =	stream.linear.gather [hbm4b:s8+s3], $0x80, $0x38;
	[tilespmem:$0x8080] =	vst v63  }
0xcc: {  	_ =	swait.ge [sflag:s13], $0x80  }
0xcd: {  	[sflag:s13] =	ssyncset.done $0x0  }
0xce: {  	[sflag:s13] =	ssyncadd.s32 $0xFFFFFF80  }
0xcf: {  	v3 =	vld [tilespmem:$0x0];
	_ =	sdelay $0x4  }
0xd0: {  	v48 =	vshll.u32 v3, $0x1  }
0xd1: {  	v3 =	vand.u32 $0x7, v3;
	v4 =	vand.u32 $0xFFFFFFF0, v48  }
0xd2: {  	v3 =	vor.u32 v3, v4  }
0xd3: {  	v4 =	vperm.xlane v3, v0;
	_ =	sdelay $0x1  }
0xd4: {  	v3 =	vperm.xlane v3, v2;
	v4 =	vadd.s32 v1, v4;
	_ =	sdelay $0x1  }
0xd5: {  	v3 =	vadd.s32 v1, v3;
	_ =	sdelay $0x2  }
0xd6: {  	[tilespmem:s14], [sflag:$0x1] =	stream.indirect_vreg.gather [hbm4b:s1+s3], $0x80, v4, vm0, $0xb8;
	[tilespmem:$0x8080] =	vst v63  }
0xd7: {  	_ = 	snop  }
0xd8: {  	[tilespmem:s15], [sflag:$0x1] =	stream.indirect_vreg.gather [hbm4b:s1+s3], $0x80, v3, vm0, $0xb8;
	[tilespmem:$0x8080] =	vst v63  }
0xd9: {  	v3 =	vld [tilespmem:$0x10];
	_ =	sdelay $0x4  }
0xda: {  	v49 =	vshll.u32 v3, $0x1  }
0xdb: {  	v3 =	vand.u32 $0x7, v3;
	v4 =	vand.u32 $0xFFFFFFF0, v49  }
0xdc: {  	v3 =	vor.u32 v3, v4  }
0xdd: {  	v4 =	vperm.xlane v3, v0;
	_ =	sdelay $0x1  }
0xde: {  	v3 =	vperm.xlane v3, v2;
	v4 =	vadd.s32 v1, v4;
	_ =	sdelay $0x1  }
0xdf: {  	v3 =	vadd.s32 v1, v3;
	_ =	sdelay $0x2  }
0xe0: {  	[tilespmem:s16], [sflag:$0x1] =	stream.indirect_vreg.gather [hbm4b:s1+s3], $0x80, v4, vm0, $0xb8;
	[tilespmem:$0x8080] =	vst v63  }
0xe1: {  	_ = 	snop  }
0xe2: {  	[tilespmem:s17], [sflag:$0x1] =	stream.indirect_vreg.gather [hbm4b:s1+s3], $0x80, v3, vm0, $0xb8;
	[tilespmem:$0x8080] =	vst v63  }
0xe3: {  	v3 =	vld [tilespmem:$0x20];
	_ =	sdelay $0x4  }
0xe4: {  	v50 =	vshll.u32 v3, $0x1  }
0xe5: {  	v3 =	vand.u32 $0x7, v3;
	v4 =	vand.u32 $0xFFFFFFF0, v50  }
0xe6: {  	v3 =	vor.u32 v3, v4  }
0xe7: {  	v4 =	vperm.xlane v3, v0;
	_ =	sdelay $0x1  }
0xe8: {  	v3 =	vperm.xlane v3, v2;
	v4 =	vadd.s32 v1, v4;
	_ =	sdelay $0x1  }
0xe9: {  	v3 =	vadd.s32 v1, v3;
	_ =	sdelay $0x2  }
0xea: {  	[tilespmem:s18], [sflag:$0x1] =	stream.indirect_vreg.gather [hbm4b:s1+s3], $0x80, v4, vm0, $0xb8;
	[tilespmem:$0x8080] =	vst v63  }
0xeb: {  	_ = 	snop  }
0xec: {  	[tilespmem:s19], [sflag:$0x1] =	stream.indirect_vreg.gather [hbm4b:s1+s3], $0x80, v3, vm0, $0xb8;
	[tilespmem:$0x8080] =	vst v63  }
0xed: {  	v3 =	vld [tilespmem:$0x30];
	_ =	sdelay $0x4  }
0xee: {  	v51 =	vshll.u32 v3, $0x1  }
0xef: {  	v3 =	vand.u32 $0x7, v3;
	v4 =	vand.u32 $0xFFFFFFF0, v51  }
0xf0: {  	v3 =	vor.u32 v3, v4  }
0xf1: {  	v4 =	vperm.xlane v3, v0;
	_ =	sdelay $0x1  }
0xf2: {  	v3 =	vperm.xlane v3, v2;
	v4 =	vadd.s32 v1, v4;
	_ =	sdelay $0x1  }
0xf3: {  	v3 =	vadd.s32 v1, v3;
	_ =	sdelay $0x2  }
0xf4: {  	[tilespmem:s20], [sflag:$0x1] =	stream.indirect_vreg.gather [hbm4b:s1+s3], $0x80, v4, vm0, $0xb8;
	[tilespmem:$0x8080] =	vst v63  }
0xf5: {  	_ = 	snop  }
0xf6: {  	[tilespmem:s21], [sflag:$0x1] =	stream.indirect_vreg.gather [hbm4b:s1+s3], $0x80, v3, vm0, $0xb8;
	[tilespmem:$0x8080] =	vst v63  }
0xf7: {  	v3 =	vld [tilespmem:$0x40];
	_ =	sdelay $0x4  }
0xf8: {  	v52 =	vshll.u32 v3, $0x1  }
0xf9: {  	v3 =	vand.u32 $0x7, v3;
	v4 =	vand.u32 $0xFFFFFFF0, v52  }
0xfa: {  	v3 =	vor.u32 v3, v4  }
0xfb: {  	v4 =	vperm.xlane v3, v0;
	_ =	sdelay $0x1  }
0xfc: {  	v3 =	vperm.xlane v3, v2;
	v4 =	vadd.s32 v1, v4;
	_ =	sdelay $0x1  }
0xfd: {  	v3 =	vadd.s32 v1, v3;
	_ =	sdelay $0x2  }
0xfe: {  	[tilespmem:s22], [sflag:$0x1] =	stream.indirect_vreg.gather [hbm4b:s1+s3], $0x80, v4, vm0, $0xb8;
	[tilespmem:$0x8080] =	vst v63  }
0xff: {  	_ = 	snop  }
0x100: {  	[tilespmem:s23], [sflag:$0x1] =	stream.indirect_vreg.gather [hbm4b:s1+s3], $0x80, v3, vm0, $0xb8;
	[tilespmem:$0x8080] =	vst v63  }
0x101: {  	v3 =	vld [tilespmem:$0x50];
	_ =	sdelay $0x4  }
0x102: {  	v53 =	vshll.u32 v3, $0x1  }
0x103: {  	v3 =	vand.u32 $0x7, v3;
	v4 =	vand.u32 $0xFFFFFFF0, v53  }
0x104: {  	v3 =	vor.u32 v3, v4  }
0x105: {  	v4 =	vperm.xlane v3, v0;
	_ =	sdelay $0x1  }
0x106: {  	v3 =	vperm.xlane v3, v2;
	v4 =	vadd.s32 v1, v4;
	_ =	sdelay $0x1  }
0x107: {  	v3 =	vadd.s32 v1, v3;
	_ =	sdelay $0x2  }
0x108: {  	[tilespmem:s24], [sflag:$0x1] =	stream.indirect_vreg.gather [hbm4b:s1+s3], $0x80, v4, vm0, $0xb8;
	[tilespmem:$0x8080] =	vst v63  }
0x109: {  	_ = 	snop  }
0x10a: {  	[tilespmem:s25], [sflag:$0x1] =	stream.indirect_vreg.gather [hbm4b:s1+s3], $0x80, v3, vm0, $0xb8;
	[tilespmem:$0x8080] =	vst v63  }
0x10b: {  	v3 =	vld [tilespmem:$0x60];
	_ =	sdelay $0x4  }
0x10c: {  	v54 =	vshll.u32 v3, $0x1  }
0x10d: {  	v3 =	vand.u32 $0x7, v3;
	v4 =	vand.u32 $0xFFFFFFF0, v54  }
0x10e: {  	v3 =	vor.u32 v3, v4  }
0x10f: {  	v4 =	vperm.xlane v3, v0;
	_ =	sdelay $0x1  }
0x110: {  	v3 =	vperm.xlane v3, v2;
	v4 =	vadd.s32 v1, v4;
	_ =	sdelay $0x1  }
0x111: {  	v3 =	vadd.s32 v1, v3;
	_ =	sdelay $0x2  }
0x112: {  	[tilespmem:s26], [sflag:$0x1] =	stream.indirect_vreg.gather [hbm4b:s1+s3], $0x80, v4, vm0, $0xb8;
	[tilespmem:$0x8080] =	vst v63  }
0x113: {  	_ = 	snop  }
0x114: {  	[tilespmem:s28], [sflag:$0x1] =	stream.indirect_vreg.gather [hbm4b:s1+s3], $0x80, v3, vm0, $0xb8;
	[tilespmem:$0x8080] =	vst v63  }
0x115: {  	v3 =	vld [tilespmem:$0x70];
	_ =	sdelay $0x4  }
0x116: {  	v55 =	vshll.u32 v3, $0x1  }
0x117: {  	v3 =	vand.u32 $0x7, v3;
	v4 =	vand.u32 $0xFFFFFFF0, v55  }
0x118: {  	v3 =	vor.u32 v3, v4  }
0x119: {  	v4 =	vperm.xlane v3, v0;
	_ =	sdelay $0x1  }
0x11a: {  	v3 =	vperm.xlane v3, v2;
	v4 =	vadd.s32 v1, v4;
	_ =	sdelay $0x1  }
0x11b: {  	v3 =	vadd.s32 v1, v3;
	_ =	sdelay $0x2  }
0x11c: {  	[tilespmem:s29], [sflag:$0x1] =	stream.indirect_vreg.gather [hbm4b:s1+s3], $0x80, v4, vm0, $0xb8;
	[tilespmem:$0x8080] =	vst v63  }
0x11d: {  	_ = 	snop  }
0x11e: {  	[tilespmem:s30], [sflag:$0x1] =	stream.indirect_vreg.gather [hbm4b:s1+s3], $0x80, v3, vm0, $0xb8;
	[tilespmem:$0x8080] =	vst v63  }
0x11f: {  	_ =	swait.ge [sflag:s31], $0x8000  }
0x120: {  	[sflag:s31] =	ssyncset.done $0x0  }
0x121: {  	[sflag:s31] =	ssyncadd.s32 $0xFFFF8000  }
0x122: {  	[hbm4b:s9+s3] =	stream.linear.scatter [tilespmem:s14], [sflag:$0x2], $0x8000, $0x38;
	[tilespmem:$0x8080] =	vst v63  }
0x123: {  	_ =	swait.ge [sflag:s13], $0x8000  }
0x124: {  	[sflag:s13] =	ssyncset.done $0x0  }
0x125: {  	[sflag:s13] =	ssyncadd.s32 $0xFFFF8000  }
0x126: {  	[tilespmem:s3], [sflag:$0x2] =	stream.linear.gather [hbm4b:s10+s3], $0x80, $0x38;
	[tilespmem:$0x8080] =	vst v63  }
0x127: {  	_ =	swait.ge [sflag:s13], $0x80  }
0x128: {  	[sflag:s13] =	ssyncset.done $0x0  }
0x129: {  	[sflag:s13] =	ssyncadd.s32 $0xFFFFFF80  }
0x12a: {  	v3 =	vld [tilespmem:$0x0];
	_ =	sdelay $0x4  }
0x12b: {  	v56 =	vshll.u32 v3, $0x1  }
0x12c: {  	v3 =	vand.u32 $0x7, v3;
	v4 =	vand.u32 $0xFFFFFFF0, v56  }
0x12d: {  	v3 =	vor.u32 v3, v4  }
0x12e: {  	v4 =	vperm.xlane v3, v0;
	_ =	sdelay $0x1  }
0x12f: {  	v3 =	vperm.xlane v3, v2;
	v4 =	vadd.s32 v1, v4;
	_ =	sdelay $0x1  }
0x130: {  	v3 =	vadd.s32 v1, v3;
	_ =	sdelay $0x2  }
0x131: {  	[tilespmem:s14], [sflag:$0x1] =	stream.indirect_vreg.gather [hbm4b:s1+s3], $0x80, v4, vm0, $0xb8;
	[tilespmem:$0x8080] =	vst v63  }
0x132: {  	_ = 	snop  }
0x133: {  	[tilespmem:s15], [sflag:$0x1] =	stream.indirect_vreg.gather [hbm4b:s1+s3], $0x80, v3, vm0, $0xb8;
	[tilespmem:$0x8080] =	vst v63  }
0x134: {  	v3 =	vld [tilespmem:$0x10];
	_ =	sdelay $0x4  }
0x135: {  	v57 =	vshll.u32 v3, $0x1  }
0x136: {  	v3 =	vand.u32 $0x7, v3;
	v4 =	vand.u32 $0xFFFFFFF0, v57  }
0x137: {  	v3 =	vor.u32 v3, v4  }
0x138: {  	v4 =	vperm.xlane v3, v0;
	_ =	sdelay $0x1  }
0x139: {  	v3 =	vperm.xlane v3, v2;
	v4 =	vadd.s32 v1, v4;
	_ =	sdelay $0x1  }
0x13a: {  	v3 =	vadd.s32 v1, v3;
	_ =	sdelay $0x2  }
0x13b: {  	[tilespmem:s16], [sflag:$0x1] =	stream.indirect_vreg.gather [hbm4b:s1+s3], $0x80, v4, vm0, $0xb8;
	[tilespmem:$0x8080] =	vst v63  }
0x13c: {  	_ = 	snop  }
0x13d: {  	[tilespmem:s17], [sflag:$0x1] =	stream.indirect_vreg.gather [hbm4b:s1+s3], $0x80, v3, vm0, $0xb8;
	[tilespmem:$0x8080] =	vst v63  }
0x13e: {  	v3 =	vld [tilespmem:$0x20];
	_ =	sdelay $0x4  }
0x13f: {  	v58 =	vshll.u32 v3, $0x1  }
0x140: {  	v3 =	vand.u32 $0x7, v3;
	v4 =	vand.u32 $0xFFFFFFF0, v58  }
0x141: {  	v3 =	vor.u32 v3, v4  }
0x142: {  	v4 =	vperm.xlane v3, v0;
	_ =	sdelay $0x1  }
0x143: {  	v3 =	vperm.xlane v3, v2;
	v4 =	vadd.s32 v1, v4;
	_ =	sdelay $0x1  }
0x144: {  	v3 =	vadd.s32 v1, v3;
	_ =	sdelay $0x2  }
0x145: {  	[tilespmem:s18], [sflag:$0x1] =	stream.indirect_vreg.gather [hbm4b:s1+s3], $0x80, v4, vm0, $0xb8;
	[tilespmem:$0x8080] =	vst v63  }
0x146: {  	_ = 	snop  }
0x147: {  	[tilespmem:s19], [sflag:$0x1] =	stream.indirect_vreg.gather [hbm4b:s1+s3], $0x80, v3, vm0, $0xb8;
	[tilespmem:$0x8080] =	vst v63  }
0x148: {  	v3 =	vld [tilespmem:$0x30];
	_ =	sdelay $0x4  }
0x149: {  	v59 =	vshll.u32 v3, $0x1  }
0x14a: {  	v3 =	vand.u32 $0x7, v3;
	v4 =	vand.u32 $0xFFFFFFF0, v59  }
0x14b: {  	v3 =	vor.u32 v3, v4  }
0x14c: {  	v4 =	vperm.xlane v3, v0;
	_ =	sdelay $0x1  }
0x14d: {  	v3 =	vperm.xlane v3, v2;
	v4 =	vadd.s32 v1, v4;
	_ =	sdelay $0x1  }
0x14e: {  	v3 =	vadd.s32 v1, v3;
	_ =	sdelay $0x2  }
0x14f: {  	[tilespmem:s20], [sflag:$0x1] =	stream.indirect_vreg.gather [hbm4b:s1+s3], $0x80, v4, vm0, $0xb8;
	[tilespmem:$0x8080] =	vst v63  }
0x150: {  	_ = 	snop  }
0x151: {  	[tilespmem:s21], [sflag:$0x1] =	stream.indirect_vreg.gather [hbm4b:s1+s3], $0x80, v3, vm0, $0xb8;
	[tilespmem:$0x8080] =	vst v63  }
0x152: {  	v3 =	vld [tilespmem:$0x40];
	_ =	sdelay $0x4  }
0x153: {  	v60 =	vshll.u32 v3, $0x1  }
0x154: {  	v3 =	vand.u32 $0x7, v3;
	v4 =	vand.u32 $0xFFFFFFF0, v60  }
0x155: {  	v3 =	vor.u32 v3, v4  }
0x156: {  	v4 =	vperm.xlane v3, v0;
	_ =	sdelay $0x1  }
0x157: {  	v3 =	vperm.xlane v3, v2;
	v4 =	vadd.s32 v1, v4;
	_ =	sdelay $0x1  }
0x158: {  	v3 =	vadd.s32 v1, v3;
	_ =	sdelay $0x2  }
0x159: {  	[tilespmem:s22], [sflag:$0x1] =	stream.indirect_vreg.gather [hbm4b:s1+s3], $0x80, v4, vm0, $0xb8;
	[tilespmem:$0x8080] =	vst v63  }
0x15a: {  	_ = 	snop  }
0x15b: {  	[tilespmem:s23], [sflag:$0x1] =	stream.indirect_vreg.gather [hbm4b:s1+s3], $0x80, v3, vm0, $0xb8;
	[tilespmem:$0x8080] =	vst v63  }
0x15c: {  	v3 =	vld [tilespmem:$0x50];
	_ =	sdelay $0x4  }
0x15d: {  	v61 =	vshll.u32 v3, $0x1  }
0x15e: {  	v3 =	vand.u32 $0x7, v3;
	v4 =	vand.u32 $0xFFFFFFF0, v61  }
0x15f: {  	v3 =	vor.u32 v3, v4  }
0x160: {  	v4 =	vperm.xlane v3, v0;
	_ =	sdelay $0x1  }
0x161: {  	v3 =	vperm.xlane v3, v2;
	v4 =	vadd.s32 v1, v4;
	_ =	sdelay $0x1  }
0x162: {  	v3 =	vadd.s32 v1, v3;
	_ =	sdelay $0x2  }
0x163: {  	[tilespmem:s24], [sflag:$0x1] =	stream.indirect_vreg.gather [hbm4b:s1+s3], $0x80, v4, vm0, $0xb8;
	[tilespmem:$0x8080] =	vst v63  }
0x164: {  	_ = 	snop  }
0x165: {  	[tilespmem:s25], [sflag:$0x1] =	stream.indirect_vreg.gather [hbm4b:s1+s3], $0x80, v3, vm0, $0xb8;
	[tilespmem:$0x8080] =	vst v63  }
0x166: {  	v3 =	vld [tilespmem:$0x60];
	_ =	sdelay $0x4  }
0x167: {  	v62 =	vshll.u32 v3, $0x1  }
0x168: {  	v3 =	vand.u32 $0x7, v3;
	v4 =	vand.u32 $0xFFFFFFF0, v62  }
0x169: {  	v3 =	vor.u32 v3, v4  }
0x16a: {  	v4 =	vperm.xlane v3, v0;
	_ =	sdelay $0x1  }
0x16b: {  	v3 =	vperm.xlane v3, v2;
	v4 =	vadd.s32 v1, v4;
	_ =	sdelay $0x1  }
0x16c: {  	v3 =	vadd.s32 v1, v3;
	_ =	sdelay $0x2  }
0x16d: {  	[tilespmem:s26], [sflag:$0x1] =	stream.indirect_vreg.gather [hbm4b:s1+s3], $0x80, v4, vm0, $0xb8;
	[tilespmem:$0x8080] =	vst v63  }
0x16e: {  	_ = 	snop  }
0x16f: {  	[tilespmem:s28], [sflag:$0x1] =	stream.indirect_vreg.gather [hbm4b:s1+s3], $0x80, v3, vm0, $0xb8;
	[tilespmem:$0x8080] =	vst v63  }
0x170: {  	v3 =	vld [tilespmem:$0x70];
	_ =	sdelay $0x4  }
0x171: {  	v63 =	vshll.u32 v3, $0x1  }
0x172: {  	v3 =	vand.u32 $0x7, v3;
	v4 =	vand.u32 $0xFFFFFFF0, v63  }
0x173: {  	v3 =	vor.u32 v3, v4  }
0x174: {  	v4 =	vperm.xlane v3, v0;
	_ =	sdelay $0x1  }
0x175: {  	v3 =	vperm.xlane v3, v2;
	v4 =	vadd.s32 v1, v4;
	_ =	sdelay $0x1  }
0x176: {  	v3 =	vadd.s32 v1, v3;
	_ =	sdelay $0x2  }
0x177: {  	[tilespmem:s29], [sflag:$0x1] =	stream.indirect_vreg.gather [hbm4b:s1+s3], $0x80, v4, vm0, $0xb8;
	[tilespmem:$0x8080] =	vst v63  }
0x178: {  	_ = 	snop  }
0x179: {  	[tilespmem:s30], [sflag:$0x1] =	stream.indirect_vreg.gather [hbm4b:s1+s3], $0x80, v3, vm0, $0xb8;
	[tilespmem:$0x8080] =	vst v63  }
0x17a: {  	_ =	swait.ge [sflag:s31], $0x8000  }
0x17b: {  	p0 =	sne.s32 s12, $0x1;
	[sflag:s31] =	ssyncset.done $0x0  }
.Ltmp0:
0x17c: {  	[sflag:s31] =	ssyncadd.s32 $0xFFFF8000;
	(pc) =	sbr.rel @p0 .LBB2_1-.Ltmp0, $4  }
0x17d: {  	[hbm4b:s11+s3] =	stream.linear.scatter [tilespmem:s14], [sflag:$0x2], $0x8000, $0x38;
	[tilespmem:$0x8080] =	vst v63  }
0x17e: {  	_ =	swait.ge [sflag:s13], $0x8000  }
0x17f: {  	[sflag:s13] =	ssyncset.done $0x0  }
0x180: {  	s12 =	sadd.s32 $0xFFFFFFFF, s12;
	[sflag:s13] =	ssyncadd.s32 $0xFFFF8000  }
0x181: {  	_ =	sfence.sel $0x180000  }
0x182: {  	[bflag:$0x0] =	sbarrier.arrive $0xFFFF  }
0x183: {  	p0 =	sne.s32 s2, $0x0;
	_ =	strace $0x9000004A  }
0x184: {  	s0 =	sadd.s32 @!p0 $0x100000, s0;
	[bflag:$0x2] =	sbarrier.arrive $0xFFFF  }
0x185: {  	[sflag:s0] =	ssyncadd.tile.s32 @!p0 $0x1;
	_ =	shalt  }
.Lfunc_end2:
_tile_overlayer_lowered:
.L_overlay_start_2:
0x186: {  	(tag) =	ssettag $0x2  }
0x187: {  	s0 =	rddreg [dreg:$0x0];
	s2 =	stileid.u32  }
0x188: {  	s1 =	rddreg [dreg:$0x1];
	p0 =	sne.s32 s2, $0x0  }
0x189: {  	s3 =	rddreg [dreg:$0x2];
	[bflag:$0x3] =	sbarrier.arrive $0xFFFF;
	s2 =	simm.s32 @!p0 $0x1C02  }
0x18a: {  	[timem:s3], [sflag:s2] =	dma.local @!p0 [hbm:s0], s1  }
0x18b: {  	s0 =	simm.s32 @!p0 $0x2  }
0x18c: {  	_ =	swait.ge @!p0 [sflag:s0], s1  }
0x18d: {  	s1 =	ssub.s32 @!p0 $0x0, s1;
	[sflag:s0] =	ssyncset.done @!p0 $0x0  }
0x18e: {  	[sflag:s0] =	ssyncadd.s32 @!p0 s1  }
0x18f: {  	[bflag:$0x3] =	sbarrier.arrive $0xFFFF  }
0x190: {  	_ =	shalt  }

// kernel: scatter_offload_async_start
scs
__scs_entry_jumppad:
0x0: {  	(pc) =	sbr.rel $0x88, $3  }
0x1: {  	(tag) =	ssettag $0x0;
	lr =	simm.s32 $0x1  }
0x2: {  	[smem:$0x3F9F] =	sst lr;
	_ =	strace $0xD0000000  }
0x3: {  	_ = 	snop  }
0x4: {  	_ = 	snop  }
0x5: {  	_ = 	snop  }
0x6: {  	_ = 	snop  }
0x7: {  	_ = 	snop  }
__scs_overlays_trampoline_lowered:
0x8: {  	[smem:$0x3FAE] =	sst s0  }
0x9: {  	[smem:$0x3FAF] =	sst s1  }
0xa: {  	[smem:$0x3FB0] =	sst s2  }
0xb: {  	[smem:$0x3FB1] =	sst s3  }
0xc: {  	[smem:$0x3FB2] =	sst s4  }
0xd: {  	[smem:$0x3FB3] =	sst s5  }
0xe: {  	[smem:$0x3FB4] =	sst s6  }
0xf: {  	[smem:$0x3FB5] =	sst s7  }
0x10: {  	[smem:$0x3FB6] =	sst s8  }
0x11: {  	[smem:$0x3FB7] =	sst s9;
	s0 =	simm.s32 @!p0 $0x0  }
0x12: {  	s1 =	sld [smem:$0x3F9D];
	s0 =	simm.s32 @p0 $0x1  }
0x13: {  	[smem:$0x3FB8] =	sst s0;
	s0 =	simm.s32 @!p1 $0x0  }
0x14: {  	s2 =	sld [smem:$0x3F9C];
	s0 =	simm.s32 @p1 $0x1  }
0x15: {  	[smem:$0x3FB9] =	sst s0;
	s0 =	simm.s32 @!p2 $0x0  }
0x16: {  	s3 =	sld [smem:$0x3FDB];
	s0 =	simm.s32 @p2 $0x1  }
0x17: {  	s4 =	simm.s32 $0x1BF5;
	[smem:$0x3FBB] =	sst s0  }
0x18: {  	s0 =	sld [smem:$0x3F9E];
	_ =	swait.ge [sflag:s4], $0x0  }
0x19: {  	s7 =	sld [smem:$0x3F9F]  }
0x1a: {  	s8 =	sadd.s32 $0xFFFFE003, lr  }
0x1b: {  	s9 =	sadd.s32 $0xFFFFFEF7, lr;
	s5 =	simm.s32 $0xFFFFFFFF;
	p2 =	slt.u32 s8, $0xFFFFF086  }
0x1c: {  	p1 =	slt.u32 s9, $0xF7A;
	s5 =	simm.s32 @!p2 $0x0  }
0x1d: {  	s5 =	simm.s32 @p1 $0x1;
	p0 =	seq.s32 s7, s2  }
0x1e: {  	s7 =	smul.u32 @!p0 $0xF7A, s2;
	p2 =	seq.s32 @!p0 s5, $0x0  }
0x1f: {  	s9 =	smul.u32 $0xF7A, s1;
	s8 =	simm.s32 @!p0 $0x1BF5;
	p2 =	por !p2, p0  }
0x20: {  	[sflag:s8] =	ssyncset.s32 @!p0 $0xFFFFF086;
	s6 =	sadd.s32 @!p0 s3, s7;
	s7 =	simm.s32 @!p0 $0x108  }
0x21: {  	s3 =	sadd.s32 s3, s9;
	s6 =	sadd.s32 @!p0 $0x88, s6;
	s7 =	simm.s32 @p2 $0x1082  }
0x22: {  	[simem:s7], [sflag:s8] =	dma.local @!p0 [hbm:s6], $0xF7A  }
0x23: {  	s9 =	sor.u32 $0xD0000000, s2;
	s6 =	simm.s32 $0x108;
	_ =	swait.ge @!p0 [sflag:s8], $0x0  }
0x24: {  	s3 =	sadd.s32 $0x88, s3;
	s6 =	simm.s32 @!p1 $0x1082;
	[sflag:s4] =	ssyncset.s32 $0xFFFFF086  }
0x25: {  	[simem:s6], [sflag:s4] =	dma.local [hbm:s3], $0xF7A  }
0x26: {  	[smem:$0x3F9F] =	sst s1;
	(tag) =	ssettag s2;
	_ =	strace s9  }
0x27: {  	s1 =	sld [smem:$0x3FAF]  }
0x28: {  	s2 =	sld [smem:$0x3FB0]  }
0x29: {  	s4 =	sld [smem:$0x3FB2]  }
0x2a: {  	p0 =	seq.s32 s5, $0x0;
	s5 =	sld [smem:$0x3FB3]  }
0x2b: {  	s6 =	sld [smem:$0x3FB4]  }
0x2c: {  	s7 =	sld [smem:$0x3FB5]  }
0x2d: {  	s3 =	simm.s32 $0x108;
	s8 =	sld [smem:$0x3FB6]  }
0x2e: {  	s3 =	simm.s32 @!p0 $0x1082;
	s9 =	sld [smem:$0x3FB7]  }
0x2f: {  	lr =	sadd.s32 s0, s3;
	s0 =	sld [smem:$0x3FAE]  }
0x30: {  	s3 =	sld [smem:$0x3FB1]  }
0x31: {  	[smem:$0x3FBA] =	sst s10  }
0x32: {  	s10 =	sld [smem:$0x3FB8];
	_ =	sdelay $0x3  }
0x33: {  	p0 =	seq.s32 s10, $0x1;
	s10 =	sld [smem:$0x3FBA];
	_ =	sdelay $0x3  }
0x34: {  	[smem:$0x3FBA] =	sst s10  }
0x35: {  	s10 =	sld [smem:$0x3FB9];
	_ =	sdelay $0x3  }
0x36: {  	p1 =	seq.s32 s10, $0x1;
	s10 =	sld [smem:$0x3FBA];
	_ =	sdelay $0x3  }
0x37: {  	[smem:$0x3FBA] =	sst s10  }
0x38: {  	s10 =	sld [smem:$0x3FBB]  }
0x39: {  	_ = 	snop;
	(pc) =	sbr.ind lr, $3  }
0x3a: {  	_ = 	snop  }
0x3b: {  	_ = 	snop  }
0x3c: {  	p2 =	seq.s32 s10, $0x1;
	s10 =	sld [smem:$0x3FBA]  }
0x3d: {  	_ =	shalt  }
0x3e: {  	_ =	shalt  }
0x3f: {  	_ =	shalt  }
0x40: {  	_ =	shalt  }
0x41: {  	_ =	shalt  }
0x42: {  	_ =	shalt  }
0x43: {  	_ =	shalt  }
0x44: {  	_ =	shalt  }
0x45: {  	_ =	shalt  }
0x46: {  	_ =	shalt  }
0x47: {  	_ =	shalt  }
0x48: {  	_ =	shalt  }
0x49: {  	_ =	shalt  }
0x4a: {  	_ =	shalt  }
0x4b: {  	_ =	shalt  }
0x4c: {  	_ =	shalt  }
0x4d: {  	_ =	shalt  }
0x4e: {  	_ =	shalt  }
0x4f: {  	_ =	shalt  }
0x50: {  	_ =	shalt  }
0x51: {  	_ =	shalt  }
0x52: {  	_ =	shalt  }
0x53: {  	_ =	shalt  }
0x54: {  	_ =	shalt  }
0x55: {  	_ =	shalt  }
0x56: {  	_ =	shalt  }
0x57: {  	_ =	shalt  }
0x58: {  	_ =	shalt  }
0x59: {  	_ =	shalt  }
0x5a: {  	_ =	shalt  }
0x5b: {  	_ =	shalt  }
0x5c: {  	_ =	shalt  }
0x5d: {  	_ =	shalt  }
0x5e: {  	_ =	shalt  }
0x5f: {  	_ =	shalt  }
0x60: {  	_ =	shalt  }
0x61: {  	_ =	shalt  }
0x62: {  	_ =	shalt  }
0x63: {  	_ =	shalt  }
0x64: {  	_ =	shalt  }
0x65: {  	_ =	shalt  }
0x66: {  	_ =	shalt  }
0x67: {  	_ =	shalt  }
0x68: {  	_ =	shalt  }
0x69: {  	_ =	shalt  }
0x6a: {  	_ =	shalt  }
0x6b: {  	_ =	shalt  }
0x6c: {  	_ =	shalt  }
0x6d: {  	_ =	shalt  }
0x6e: {  	_ =	shalt  }
0x6f: {  	_ =	shalt  }
0x70: {  	_ =	shalt  }
0x71: {  	_ =	shalt  }
0x72: {  	_ =	shalt  }
0x73: {  	_ =	shalt  }
0x74: {  	_ =	shalt  }
0x75: {  	_ =	shalt  }
0x76: {  	_ =	shalt  }
0x77: {  	_ =	shalt  }
0x78: {  	_ =	shalt  }
0x79: {  	_ =	shalt  }
0x7a: {  	_ =	shalt  }
0x7b: {  	_ =	shalt  }
0x7c: {  	_ =	shalt  }
0x7d: {  	_ =	shalt  }
0x7e: {  	_ =	shalt  }
0x7f: {  	_ =	shalt  }
0x80: {  	_ =	shalt  }
0x81: {  	_ =	shalt  }
0x82: {  	_ =	shalt  }
0x83: {  	_ =	shalt  }
0x84: {  	_ =	shalt  }
0x85: {  	_ =	shalt  }
0x86: {  	_ =	shalt  }
0x87: {  	_ =	shalt  }
.Lfunc_end0:
.L_simem_size_0:
called_computation_lowered:
.L_overlay_start_0:
0x88: {  	s0 =	sld [smem:$0x3FD9]  }
0x89: {  	s1 =	sld [smem:$0x3FFE];
	_ =	sdelay $0x3  }
0x8a: {  	s0 =	sadd.s32 s1, s0  }
0x8b: {  	[smem:$0x3FC6] =	sst s0  }
0x8c: {  	_ = 	snop  }
0x8d: {  	(tm) =	ssettm $0x1  }
0x8e: {  	s15 =	sld [smem:$0x3FFB];
	_ =	sdelay $0x3  }
0x8f: {  	_ =	strace s15  }
0x90: {  	s0 =	sld [smem:$0x3FFC];
	_ =	sdelay $0x3  }
0x91: {  	_ =	strace s0  }
0x92: {  	s0 =	sld [smem:$0x3FFD];
	_ =	sdelay $0x3  }
0x93: {  	_ =	strace s0  }
0x94: {  	_ =	strace $0x8FFFFFFF  }
0x95: {  	s16 =	sld [smem:$0x3FDB];
	_ =	sdelay $0x1  }
0x96: {  	s17 =	simm.s32 $_scs_section_size  }
0x97: {  	s2 =	simm.s32 $_size__tile_overlayer_lowered;
	s3 =	simm.s32 $_tile_overlayer_lowered  }
0x98: {  	s20 =	simm.s32 $0x1BFF;
	s19 =	sshll.u32 s3, $0x1;
	s0 =	sadd.s32 s17, s16  }
0x99: {  	s4 =	simm.s32 $0x0;
	s18 =	sshll.u32 s2, $0x1;
	s2 =	sadd.s32 s19, s0  }
0x9a: {  	[timem:s4], [sflag:s20] =	dma.local [hbm:s2], s18  }
0x9b: {  	_ =	swait.ge [sflag:s20], s18  }
0x9c: {  	s1 =	ssub.s32 $0x0, s18;
	[sflag:s20] =	ssyncset.done $0x0  }
0x9d: {  	[sflag:s20] =	ssyncadd.s32 s1;
	_ =	sdelay $0x1  }
0x9e: {  	s21 =	simm.s32 $0x1B8B  }
0x9f: {  	_ =	swait.ge [sflag:s21], $0x1  }
0xa0: {  	[sflag:s21] =	ssyncset.done $0x0  }
0xa1: {  	s23 =	simm.s32 $0x1B8E;
	s22 =	sld [smem:$0x3FFE];
	[sflag:s21] =	ssyncadd.s32 $0xFFFFFFFF  }
0xa2: {  	s24 =	simm.s32 $execute0_lowered;
	[smem:$0x3FD2] =	sst s23  }
0xa3: {  	s2 =	sshll.u32 s24, $0x1;
	_ =	strace $0x80000046;
	[dreg:$0x1] =	wrdreg $0xFFFFFFFF  }
0xa4: {  	s25 =	simm.s32 $_size_execute0_lowered;
	s0 =	sadd.s32 s0, s2;
	[dreg:$0x0] =	wrdreg $0x0  }
0xa5: {  	s2 =	sshll.u32 s25, $0x1;
	[dreg:$0x2] =	wrdreg s0  }
0xa6: {  	[dreg:$0x3] =	wrdreg s2  }
0xa7: {  	[dreg:$0x4] =	wrdreg $0xC0  }
0xa8: {  	_ =	task [dreg:s4], $0x5FFFF  }
0xa9: {  	[dreg:$0x1] =	wrdreg $0xFFFFFFFF  }
0xaa: {  	[dreg:$0x0] =	wrdreg $0x60  }
0xab: {  	[dreg:$0x2] =	wrdreg s22  }
0xac: {  	[dreg:$0x3] =	wrdreg $0x9  }
0xad: {  	_ =	task.clear_ibuf [dreg:s4], $0x4FFFF;
	_ =	strace $0x90000046  }
0xae: {  	s26 =	simm.s32 $0x9;
	_ =	strace $0x80000048  }
0xaf: {  	_ =	swait.ge [sflag:s26], $0x1  }
0xb0: {  	[sflag:s26] =	ssyncadd.s32 $0xFFFFFFFF  }
0xb1: {  	_ =	strace $0x90000048  }
0xb2: {  	_ =	sfence  }
0xb3: {  	s28 =	sld [smem:$0x0];
	_ =	sdelay $0x1  }
0xb4: {  	s29 =	srdreg.scid  }
0xb5: {  	s30 =	sshll.u32 s29, $0xD;
	s31 =	sshrl.u32 s29, $0x2  }
0xb6: {  	s1 =	sand.u32 $0x1, s29;
	s2 =	sand.u32 $0x4000, s30;
	s0 =	sadd.s32 s31, s28  }
0xb7: {  	s1 =	sor.u32 s2, s1;
	s0 =	sshll.u32 s0, $0x11  }
0xb8: {  	s0 =	sor.u32 s0, s1  }
0xb9: {  	s0 =	sadd.s32 $0x8F2B, s0  }
0xba: {  	[sflag:s0] =	ssyncadd.remote.s32 $0x1  }
0xbb: {  	_ =	sfence.sel $0xFFFF  }
0xbc: {  	[dreg:$0x0] =	wrdreg $0xFFFFFFFF;
	(pc) =	sbr.abs _section_cstart, $3  }
0xbd: {  	[dreg:$0x1] =	wrdreg $0xFFFFFFFF  }
0xbe: {  	_ =	task.clear_ibuf [dreg:s4], $0x2FFFF;
	_ =	strace $0x9FFFFFFF  }
0xbf: {  	(tm) =	ssettm $0x7FFFFFFF  }
tec
execute0_lowered:
.L_overlay_start_1:
0x0: {  	(tag) =	ssettag $0x1  }
0x1: {  	s0 =	rddreg [dreg:$0x0];
	_ =	strace $0x80000047;
	s3 =	simm.s32 $0x1  }
0x2: {  	v1 =	vimm.s32 $0xFFFFFFFF;
	[sflag:s3] =	ssyncpa.u1 $0x0  }
0x3: {  	[tilespmem:$0x10] =	vst v1  }
0x4: {  	v0 =	vimm.f32 $0.0e+00;
	[tilespmem:$0x20] =	vst v1  }
0x5: {  	[tilespmem:$0x30] =	vst v0  }
0x6: {  	s2 =	simm.s32 $0x2;
	s6 =	simm.s32 $0x7;
	s26 =	stileid.u32;
	[tilespmem:$0x40] =	vst v0  }
0x7: {  	s7 =	simm.s32 $0x8;
	s31 =	simm.s32 $0x9;
	s14 =	simm.s32 $0x0;
	[tilespmem:$0x50] =	vst v0  }
0x8: {  	s15 =	simm.s32 $0x100;
	s18 =	simm.s32 $0x10;
	s19 =	simm.s32 $0x2500;
	[tilespmem:$0x60] =	vst v1  }
0x9: {  	s20 =	simm.s32 $0xF;
	s21 =	simm.s32 $0x50;
	s22 =	simm.s32 $0x10FF;
	[tilespmem:$0x70] =	vst v1  }
0xa: {  	s23 =	simm.s32 $0x20;
	s24 =	simm.s32 $0x30;
	s25 =	simm.s32 $0x20FF;
	[tilespmem:$0x80] =	vst v1  }
0xb: {  	s30 =	simm.s32 $0x0;
	s29 =	simm.s32 $0x0;
	s1 =	sadd.s32 $0x1800, s0;
	v1 =	vimm.s32 $0x0;
	[tilespmem:$0xB0] =	vst v0  }
.Ltmp0:
0xc: {  	s4 =	sadd.s32 $0x800, s0;
	s5 =	sadd.s32 $0x1000, s0;
	[tilespmem:$0x90] =	vst v1;
	(pc) =	sbr.rel .LBB2_1-.Ltmp0, $4  }
0xd: {  	s8 =	sshll.u32 s26, $0xA;
	s10 =	sshll.u32 s26, $0x1;
	[tilespmem:$0xA0] =	vst v1;
	[sflag:s2] =	ssyncpa.u1 $0x0  }
0xe: {  	s12 =	sshllo.u32 s26, $0x1;
	s26 =	simm.s32 $0x80;
	[sflag:s6] =	ssyncpa.u1 $0x0  }
0xf: {  	vm0 =	vmmov $0xffff;
	v2 =	vlaneseq.u32;
	s9 =	sadd.s32 $0x400, s8;
	s11 =	sor.u32 $0x81, s10;
	[sflag:s7] =	ssyncpa.u1 $0x0  }
0x10: {  	vm1 =	vmxor vm1, vm1;
	vm2 =	vmmov $0x1;
	vm3 =	vcmask $0x3F3C;
	s13 =	sor.u32 $0x80, s10;
	s28 =	smov.u32 s8;
	[sflag:s31] =	ssyncpa.u1 $0x0  }
.LBB2_3:
0x11: {  	s0 =	sshrl.u32 s28, $0x3  }
0x12: {  	s2 =	sand.u32 $0x7, s28;
	s0 =	sadd.s32 s4, s0  }
0x13: {  	[tilespmem:s15], [sflag:$0x7] =	stream.linear.gather [hbm4b:s0+s2], $0x400, $0x38;
	[tilespmem:$0x2520] =	vst v63  }
.LBB2_4:
0x14: {  	s0 =	sadd.s32 $0x400, s28  }
0x15: {  	s2 =	smov.u32 s8;
	s29 =	sadd.s32 $0x1, s29;
	p0 =	slt.s32 s0, s9  }
0x16: {  	s2 =	smov.u32 @p0 s0;
	p0 =	sne.s32 s29, $0x4  }
.Ltmp1:
0x17: {  	_ = 	snop;
	(pc) =	sbr.rel @!p0 .LBB2_13-.Ltmp1, $2  }
0x18: {  	_ =	sdelay $0x2  }
0x19: {  	s30 =	smov.u32 s28;
	s28 =	smov.u32 s2  }
.LBB2_1:
0x1a: {  	p0 =	sgt.s32 s29, $0x1  }
.Ltmp2:
0x1b: {  	_ = 	snop;
	(pc) =	sbr.rel @p0 .LBB2_11-.Ltmp2, $1  }
0x1c: {  	_ =	sdelay $0x3  }
0x1d: {  	p0 =	seq.s32 s29, $0x0  }
.Ltmp3:
0x1e: {  	_ = 	snop;
	(pc) =	sbr.rel @p0 .LBB2_3-.Ltmp3, $1  }
0x1f: {  	_ =	sdelay $0x3  }
0x20: {  	_ =	swait.ge [sflag:s6], $0x400  }
0x21: {  	[sflag:s6] =	ssyncset.done $0x0  }
0x22: {  	[sflag:s6] =	ssyncadd.s32 $0xFFFFFC00;
	(ifvalue) =	ssetifvalue $0xFFFFFFFF;
	v3 =	vld.msk [tilespmem:s15+$0x0 ss:$0x1], $0xffff;
	_ =	sdelay $0x4  }
0x23: {  	v4 =	vperm.xlane v3, v1  }
0x24: {  	vm4 =	vlt.u32 v3, $0x2000  }
0x25: {  	v3 =	vnsel vm4, $0xFFFFFFFE, v3;
	vm4 =	vlt.u32 v4, $0x2000  }
0x26: {  	[tilespmem:$0x70] =	vst v3;
	v3 =	vnsel vm4, $0xFFFFFFFE, v4  }
0x27: {  	s17 =	simm.s32 $0x4F0;
	[tilespmem:$0x80] =	vst v3  }
0x28: {  	v3 =	vld.msk [tilespmem:s17+$0x0 ss:$0x1], $0xffff;
	_ =	sdelay $0x4  }
0x29: {  	(xrf1) =	vunique.msk.u32 $0xffff, v3;
	_ =	sdelay $0xd  }
0x2a: {  	v4 =	vimm.s32 $0xFFFFFFFF;
	v5, _, _ =	vpop (xrf1)  }
0x2b: {  	vm5 =	vne.s32 v3, v4;
	vm4 =	veq.s32 v5, v2  }
0x2c: {  	vm6 =	vlt.u32 v3, $0x2000;
	vm4 =	vmand vm5, vm4  }
0x2d: {  	vm4 =	vmand vm6, vm4  }
0x2e: {  	v4 =	vnsel vm4, $0xFFFFFFFF, v3;
	_ =	sdelay $0x3  }
0x2f: {  	s0 =	simm.s32 $0x10F0;
	(ifvalue) =	ssetifvalue $0xFFFFFFFF  }
0x30: {  	v3 =	vperm.xlane v3, v1;
	[tilespmem:s0], [sflag:$0x8] =	stream.indirect_vreg.gather [hbm4b:s1+s14], $0x1, v4, vm0, $0x4038;
	v4 =	vnsel vm6, $0xFFFFFFFE, v4;
	[tilespmem:$0x2520] =	vst v63  }
0x31: {  	s2 =	simm.s32 $0x0;
	s16 =	simm.s32 $0x4E0;
	[tilespmem:s17+$0x0] =	vst v4  }
.LBB2_6:
0x32: {  	v4 =	vld.msk [tilespmem:s16+$0x0 ss:$0x1], $0xffff;
	s2 =	sadd.s32 $0x10, s2;
	v5 =	vmov v3;
	s17 =	smov.u32 s16  }
0x33: {  	p0 =	slt.u32 s2, $0x3F0;
	_ =	sdelay $0x4  }
0x34: {  	v3 =	vperm.xlane v4, v1;
	(xrf1) =	vunique.msk.u32 $0xffff, v4;
	_ =	sdelay $0xd  }
0x35: {  	v6, _, _ =	vpop (xrf1)  }
0x36: {  	vm5 =	vne.s32 v4, v5;
	vm4 =	veq.s32 v6, v2  }
0x37: {  	vm6 =	vlt.u32 v4, $0x2000;
	vm4 =	vmand vm5, vm4  }
0x38: {  	vm4 =	vmand vm6, vm4  }
0x39: {  	v4 =	vnsel vm4, $0xFFFFFFFF, v4  }
.Ltmp4:
0x3a: {  	v5 =	vnsel vm6, $0xFFFFFFFE, v4;
	(pc) =	sbr.rel @p0 .LBB2_6-.Ltmp4, $3  }
0x3b: {  	_ =	sdelay $0x1  }
0x3c: {  	s16 =	sadd.s32 $0xFFFFFFF0, s16;
	s0 =	sadd.s32 $0xFFFFFFF0, s0;
	(ifvalue) =	ssetifvalue $0xFFFFFFFF  }
0x3d: {  	[tilespmem:s0], [sflag:$0x8] =	stream.indirect_vreg.gather [hbm4b:s1+s14], $0x1, v4, vm0, $0x4038;
	[tilespmem:s17+$0x0] =	vst v5  }
.Ltmp5:
0x3e: {  	(pc) =	sbr.rel .LBB2_4-.Ltmp5, $4  }
0x3f: {  	_ = 	snop  }
0x40: {  	s0 =	sshrl.u32 s30, $0x3  }
0x41: {  	s2 =	simm.s32 $0x1500;
	s0 =	sadd.s32 s5, s0  }
0x42: {  	[tilespmem:s2], [sflag:$0x8] =	stream.linear.gather [hbm:s0], $0x400, $0x38;
	[tilespmem:$0x2520] =	vst v63  }
.LBB2_11:
0x43: {  	p0 =	seq.s32 s29, $0x2  }
.Ltmp6:
0x44: {  	_ = 	snop;
	(pc) =	sbr.rel @!p0 .LBB2_12-.Ltmp6, $1  }
0x45: {  	_ =	sdelay $0x3  }
0x46: {  	_ =	swait.ge [sflag:s7], $0x800  }
0x47: {  	[sflag:s7] =	ssyncset.done $0x0  }
0x48: {  	s0 =	simm.s32 $0x4FF;
	[sflag:s7] =	ssyncadd.s32 $0xFFFFF800  }
0x49: {  	[spmem:s11] =	stream.linear.scatter [tilespmem:s0], [sflag:$0x1], $0x1, $0x38;
	[tilespmem:$0x2520] =	vst v63  }
0x4a: {  	_ =	swait.ge [sflag:s3], $0x1  }
0x4b: {  	[sflag:s3] =	ssyncset.done $0x0  }
0x4c: {  	[sflag:s3] =	ssyncadd.s32 $0xFFFFFFFF  }
0x4d: {  	v4 =	vld [tilespmem:$0x10]  }
0x4e: {  	v5 =	vld [tilespmem:$0x70]  }
0x4f: {  	v3 =	vld [tilespmem:$0x80];
	_ =	sdelay $0x2  }
0x50: {  	(v2sf) =	vpush v4, $0x0  }
0x51: {  	(v2sf) =	vpush v5, $0x0  }
0x52: {  	(v2sf) =	vpush v3, $0x0;
	_ =	sdelay $0xc  }
0x53: {  	s16 =	spop (v2sf)  }
0x54: {  	s2 =	spop (v2sf)  }
0x55: {  	s30 =	spop (v2sf)  }
0x56: {  	p0 =	seq.s32 s16, s2;
	p1 =	seq.s32 s30, s16  }
0x57: {  	p1 =	por p0, p1  }
0x58: {  	v4 =	vpsel p1, $0xFFFFFFFF, v4  }
0x59: {  	[tilespmem:s18+$0x0] =	vst.msk $0x1, v4  }
0x5a: {  	v4 =	vld [tilespmem:$0x30]  }
0x5b: {  	v5 =	vld [tilespmem:$0x1500]  }
0x5c: {  	v6 =	vld [tilespmem:$0x40];
	_ =	sdelay $0x3  }
0x5d: {  	vm4 =	vmmov vm1;
	v5 =	vadd.f32 v5, v4  }
0x5e: {  	vm5 =	vmmov vm2;
	s31 =	simm.s32 $0x1500;
	vm4 =	vmmov @p0 vm2;
	v4 =	vadd.f32 v6, v4  }
0x5f: {  	vm5 =	vmmov @p1 vm1;
	[tilespmem:s31+$0x0] =	vst.msk vm4, v5  }
0x60: {  	[tilespmem:s19+$0x0] =	vst.msk vm5, v4  }
0x61: {  	v4 =	vld [tilespmem:$0x10F0];
	_ =	sdelay $0x3  }
0x62: {  	v5 =	vimm.f32 $0.0e+00  }
0x63: {  	v4 =	vshift.insert v4, v5, s20;
	_ =	sdelay $0x1  }
0x64: {  	[tilespmem:s21+$0x0] =	vst.msk $0x1, v4  }
0x65: {  	[tilespmem:s22+$0x0] =	vst.msk $0x1, v5  }
0x66: {  	v4 =	vld [tilespmem:$0x4F0];
	_ =	sdelay $0x4  }
0x67: {  	v4 =	vshift.insert v4, v1, s20;
	_ =	sdelay $0x1  }
0x68: {  	[tilespmem:s23+$0x0] =	vst.msk $0x1, v4  }
0x69: {  	s17 =	simm.s32 $0x100;
	v6 =	vld [tilespmem:s31+$0x0]  }
0x6a: {  	v7 =	vld [tilespmem:s17+$0x0];
	_ =	sdelay $0x3  }
0x6b: {  	v5 =	vadd.f32 v6, v5  }
0x6c: {  	vm4 =	vne.s32 v7, $0xFFFFFFFF  }
0x6d: {  	(xrf2) =	vadd.seg.scan.f32 vm4, v5;
	_ =	sdelay $0x3  }
0x6e: {  	s0 =	simm.s32 $0xD00;
	v5 =	vperm.xlane v4, v1  }
0x6f: {  	v6 =	vld [tilespmem:s0+$0x0]  }
0x70: {  	vm5 =	veq.s32 v7, v3;
	vm6 =	veq.s32 v7, v5  }
0x71: {  	vm7 =	vgt.u32 v7, $0xFFFFFFFD;
	vm6 =	vmor vm6, vm5  }
0x72: {  	vm6 =	vmor vm6, vm7  }
0x73: {  	v9 =	vld [tilespmem:$0xA0];
	v7 =	vsel vm6, $0xFFFFFFFF, v7  }
0x74: {  	v10 =	vld [tilespmem:$0x90];
	v6 =	vsel vm5, $0x0, v6;
	v8, _, _ =	vpop (xrf2)  }
0x75: {  	v6 =	vadd.f32 v8, v6  }
0x76: {  	s2 =	simm.s32 $0x1D00  }
0x77: {  	vm4 =	vmand vm4, vm3;
	[tilespmem:s2+$0x0] =	vst v6;
	(ifvalue) =	ssetifvalue $0xFFFFFFFF  }
0x78: {  	vm6 =	veq.s32 v9, $0x1;
	[hbm4b:s1+s14] =	stream.indirect_vreg.scatter [tilespmem:s2], [sflag:$0x2], $0x1, v7, vm0, $0x4038;
	v7 =	vsel vm4, $0x0, v8;
	[tilespmem:$0x2520] =	vst v63  }
0x79: {  	s16 =	simm.s32 $0x0;
	s17 =	simm.s32 $0x110;
	vm4 =	vmor vm6, vm5;
	v6 =	vsel vm5, v8, v10;
	v7 =	vshift.insert v7, v0, s20  }
.LBB2_9:
0x7a: {  	v8 =	vld [tilespmem:s17+$0x0];
	s31 =	sadd.s32 $0x10, s31  }
0x7b: {  	s0 =	sadd.s32 $0x10, s0;
	v9 =	vld [tilespmem:s31+$0x0]  }
0x7c: {  	s16 =	sadd.s32 $0x10, s16;
	v10 =	vld [tilespmem:s0+$0x0]  }
0x7d: {  	p0 =	slt.u32 s16, $0x3F0;
	_ =	sdelay $0x2  }
0x7e: {  	v7 =	vadd.f32 v9, v7  }
0x7f: {  	vm5 =	vne.s32 v8, $0xFFFFFFFF  }
0x80: {  	vm6 =	vmand vm5, vm3;
	(xrf2) =	vadd.seg.scan.f32 vm5, v7;
	_ =	sdelay $0x5  }
0x81: {  	vm7 =	veq.s32 v8, v5;
	vm5 =	veq.s32 v8, v3  }
0x82: {  	vm8 =	vgt.u32 v8, $0xFFFFFFFD;
	vm4 =	vmor vm4, vm5;
	vm7 =	vmor vm7, vm5  }
0x83: {  	vm7 =	vmor vm7, vm8  }
0x84: {  	v8 =	vsel vm7, $0xFFFFFFFF, v8  }
.Ltmp7:
0x85: {  	v7 =	vsel vm5, $0x0, v10;
	v9, _, _ =	vpop (xrf2);
	(pc) =	sbr.rel @p0 .LBB2_9-.Ltmp7, $4  }
0x86: {  	v6 =	vsel vm5, v9, v6;
	v10 =	vadd.f32 v9, v7;
	v7 =	vsel vm6, $0x0, v9  }
0x87: {  	s2 =	sadd.s32 $0x10, s2;
	v7 =	vshift.insert v7, v0, s20  }
0x88: {  	s17 =	sadd.s32 $0x10, s17;
	[tilespmem:s2+$0x0] =	vst v10;
	(ifvalue) =	ssetifvalue $0xFFFFFFFF  }
0x89: {  	[hbm4b:s1+s14] =	stream.indirect_vreg.scatter [tilespmem:s2], [sflag:$0x2], $0x1, v8, vm0, $0x4038;
	[tilespmem:$0x2520] =	vst v63  }
0x8a: {  	v3 =	vld [tilespmem:$0x20F0];
	_ =	sdelay $0x4  }
0x8b: {  	v3 =	vshift.insert v3, v0, s20;
	_ =	sdelay $0x1  }
0x8c: {  	[tilespmem:s24+$0x0] =	vst.msk $0x1, v3  }
0x8d: {  	v3 =	vsel vm4, $0x1, v1;
	[tilespmem:$0x90] =	vst v6  }
0x8e: {  	[tilespmem:$0xA0] =	vst v3  }
0x8f: {  	[spmem:s12] =	stream.linear.scatter [tilespmem:s25], [sflag:$0x1], $0x1, $0x38;
	[tilespmem:$0x2520] =	vst v63  }
0x90: {  	v3 =	vmctz.xlane vm4;
	_ =	swait.ge [sflag:s3], $0x1  }
0x91: {  	(v2sf) =	vpush v4, $0x0  }
0x92: {  	(v2sf) =	vpush v3, $0x0;
	_ =	sdelay $0xd  }
0x93: {  	s0 =	spop (v2sf)  }
0x94: {  	s2 =	spop (v2sf)  }
0x95: {  	[sflag:s3] =	ssyncset.done $0x0;
	p0 =	sne.s32 s30, s0;
	p1 =	slt.s32 s2, $0xF  }
0x96: {  	[sflag:s3] =	ssyncadd.s32 $0xFFFFFFFF;
	v3 =	vimm.s32 @!p0 $0xFFFFFFFF;
	s2 =	simm.s32 @!p1 $0xF  }
0x97: {  	[tilespmem:$0x80] =	vst @!p0 v3;
	s31 =	sadd.s32 $0x90, s2  }
0x98: {  	[spmem:s10] =	stream.linear.scatter [tilespmem:s31], [sflag:$0x1], $0x1, $0x38;
	[tilespmem:$0x2520] =	vst v63  }
0x99: {  	_ =	swait.ge [sflag:s3], $0x1  }
0x9a: {  	[sflag:s3] =	ssyncset.done $0x0  }
0x9b: {  	[sflag:s3] =	ssyncadd.s32 $0xFFFFFFFF  }
0x9c: {  	[spmem:s13] =	stream.linear.scatter [tilespmem:s26], [sflag:$0x1], $0x1, $0x38;
	[tilespmem:$0x2520] =	vst v63  }
0x9d: {  	_ =	swait.ge [sflag:s3], $0x1  }
0x9e: {  	[sflag:s3] =	ssyncset.done $0x0  }
0x9f: {  	[sflag:s3] =	ssyncadd.s32 $0xFFFFFFFF;
	(ifvalue) =	ssetifvalue $0xFFFFFFFF;
	v3 =	vld [tilespmem:$0x10];
	_ =	sdelay $0x3  }
.Ltmp8:
0xa0: {  	_ = 	snop;
	(pc) =	sbr.rel .LBB2_4-.Ltmp8, $3  }
0xa1: {  	_ =	sdelay $0x1  }
0xa2: {  	(ifvalue) =	ssetifvalue $0xFFFFFFFF  }
0xa3: {  	[hbm4b:s1+s14] =	stream.indirect_vreg.scatter [tilespmem:s19], [sflag:$0x9], $0x1, v3, vm0, $0x4038;
	[tilespmem:$0x2520] =	vst v63  }
.LBB2_12:
0xa4: {  	s0 =	simm.s32 $0x2  }
0xa5: {  	_ =	swait.ge [sflag:s0], $0x400  }
0xa6: {  	[sflag:s0] =	ssyncset.done $0x0  }
0xa7: {  	s31 =	simm.s32 $0x9;
	[sflag:s0] =	ssyncadd.s32 $0xFFFFFC00  }
0xa8: {  	_ =	swait.ge [sflag:s31], $0x10  }
0xa9: {  	[sflag:s31] =	ssyncset.done $0x0  }
0xaa: {  	[sflag:s31] =	ssyncadd.s32 $0xFFFFFFF0  }
.LBB2_13:
0xab: {  	_ =	sfence.sel $0x180000  }
0xac: {  	s0 =	simm.s32 $0x7;
	[bflag:$0x0] =	sbarrier.arrive $0xFFFF  }
0xad: {  	s26 =	simm.s32 $0x8;
	[sflag:s0] =	ssyncpa.u1 $0x1  }
0xae: {  	s28 =	simm.s32 $0x9;
	[sflag:s26] =	ssyncpa.u1 $0x1  }
0xaf: {  	[sflag:s28] =	ssyncpa.u1 $0x1  }
0xb0: {  	_ =	sfence.stream.spmem  }
0xb1: {  	s29 =	simm.s32 $0x3;
	[bflag:$0x0] =	sbarrier.arrive $0xFFFF  }
0xb2: {  	s30 =	simm.s32 $0x4;
	[sflag:s29] =	ssyncpa.u1 $0x1  }
0xb3: {  	s31 =	simm.s32 $0x3C;
	s2 =	stileid.u32;
	[sflag:s30] =	ssyncpa.u1 $0x1  }
0xb4: {  	p0 =	sne.s32 s2, $0x0;
	[sflag:s31] =	ssyncpa.u1 $0x1  }
0xb5: {  	s0 =	simm.s32 @p0 $0x1;
	_ =	sfence @p0  }
0xb6: {  	[sflag:s0] =	ssyncpa.u1 @p0 $0x1;
	s0 =	simm.s32 @p0 $0x2  }
0xb7: {  	[sflag:s0] =	ssyncpa.u1 @p0 $0x1  }
0xb8: {  	_ =	strace @p0 $0x90000047  }
0xb9: {  	[bflag:$0x2] =	sbarrier.arrive @p0 $0xFFFF  }
0xba: {  	_ =	shalt @p0  }
.LBB2_14:
0xbb: {  	_ =	sfence.stream.spmem;
	s0 =	simm.s32 $0x5  }
0xbc: {  	s2 =	simm.s32 $0x80;
	s3 =	simm.s32 $0xC0;
	[sflag:s0] =	ssyncpa.u1 $0x0  }
0xbd: {  	[tilespmem:s3], [sflag:$0x5] =	stream.linear.gather [spmem:s2], $0x20, $0x38;
	[tilespmem:$0x2520] =	vst v63  }
0xbe: {  	s2 =	simm.s32 $0x0;
	s3 =	simm.s32 $0xE0  }
0xbf: {  	[tilespmem:s3], [sflag:$0x5] =	stream.linear.gather [spmem:s2], $0x20, $0x38;
	[tilespmem:$0x2520] =	vst v63  }
.Ltmp9:
0xc0: {  	_ = 	snop;
	(pc) =	sbr.rel .LBB2_15-.Ltmp9, $4  }
0xc1: {  	_ =	swait.ge [sflag:s0], $0x40  }
0xc2: {  	[sflag:s0] =	ssyncset.done $0x0  }
0xc3: {  	s31 =	simm.s32 $0x6;
	[sflag:s0] =	ssyncadd.s32 $0xFFFFFFC0  }
0xc4: {  	s4 =	simm.s32 $0x0;
	[sflag:s31] =	ssyncpa.u1 $0x0  }
.LBB2_20:
0xc5: {  	p0 =	sgt.u32 s0, $0x1FFF  }
0xc6: {  	s5 =	sshrl.u32 @!p0 s0, $0x3  }
0xc7: {  	s0 =	sand.u32 @!p0 $0x7, s0;
	s6 =	simm.s32 @!p0 $0xB0;
	s5 =	sadd.s32 @!p0 s1, s5  }
0xc8: {  	[tilespmem:s6], [sflag:$0x6] =	stream.linear.gather @!p0 [hbm4b:s5+s0], $0x1, $0x38;
	[tilespmem:$0x2520] =	vst v63  }
0xc9: {  	s0 =	simm.s32 @!p0 $0x6  }
0xca: {  	_ =	swait.ge @!p0 [sflag:s0], $0x1  }
0xcb: {  	[sflag:s0] =	ssyncset.done @!p0 $0x0  }
0xcc: {  	[sflag:s0] =	ssyncadd.s32 @!p0 $0xFFFFFFFF  }
0xcd: {  	v2 =	vmov @!p0 s4;
	v1 =	vld.msk @!p0 [tilespmem:$0xB0], $0x1;
	_ =	sdelay $0x3  }
0xce: {  	s0 =	simm.s32 @!p0 $0xE0  }
0xcf: {  	[tilespmem:v2+s0+$0x0], v1 =	vst.idx.ret.add.f32.msk @!p0 $0x1, v1  }
0xd0: {  	[tilespmem:s2+$0xC0] =	vst.msk $0x1, v0  }
0xd1: {  	v0 =	vld.msk [tilespmem:s4+$0xE0], $0x1;
	_ =	sdelay $0x4  }
0xd2: {  	[tilespmem:s2+$0xE0] =	vst.msk $0x1, v0;
	s2 =	sadd.s32 $0x1, s2  }
.LBB2_22:
0xd3: {  	s4 =	sadd.s32 $0x1, s4  }
0xd4: {  	p0 =	sne.s32 s4, $0x20  }
.Ltmp10:
0xd5: {  	_ = 	snop;
	(pc) =	sbr.rel @!p0 .LBB2_23-.Ltmp10, $1  }
0xd6: {  	_ =	sdelay $0x3  }
.LBB2_15:
0xd7: {  	v0 =	vld.msk [tilespmem:s4+$0xC0], $0x1;
	_ =	sdelay $0x4  }
0xd8: {  	(v2sf) =	vpush v0, $0x0;
	_ =	sdelay $0xe  }
0xd9: {  	s0 =	spop (v2sf)  }
0xda: {  	p0 =	seq.s32 s0, $0xFFFFFFFF  }
.Ltmp11:
0xdb: {  	_ = 	snop;
	(pc) =	sbr.rel @p0 .LBB2_22-.Ltmp11, $1  }
0xdc: {  	_ =	sdelay $0x3  }
0xdd: {  	p0 =	slt.s32 s2, $0x1  }
.Ltmp12:
0xde: {  	_ = 	snop;
	(pc) =	sbr.rel @p0 .LBB2_20-.Ltmp12, $1  }
0xdf: {  	_ =	sdelay $0x3  }
0xe0: {  	s5 =	simm.s32 $0xC0;
	p0 =	por $0x0, $0x0  }
0xe1: {  	v1 =	vld.msk @!p0 [tilespmem:s5+$0x0], $0x1;
	_ =	sdelay $0x4  }
0xe2: {  	(v2sf) =	vpush @!p0 v1, $0x0;
	_ =	sdelay $0xd  }
0xe3: {  	p2 =	sne.s32 s2, $0x1  }
.Ltmp13:
0xe4: {  	s6 =	spop @!p0 (v2sf);
	(pc) =	sbr.rel @!p2 .LBB2_19-.Ltmp13, $4  }
0xe5: {  	p1 =	seq.s32 @!p0 s0, s6  }
0xe6: {  	s6 =	simm.s32 $0x0;
	p1 =	por !p1, p0  }
0xe7: {  	s8 =	simm.s32 $0xFFFFFFFF;
	s6 =	simm.s32 @p1 $0xFFFFFFFF  }
0xe8: {  	s7 =	simm.s32 $0x1;
	s6 =	smov.u32 @p0 s8  }
.LBB2_18:
0xe9: {  	s8 =	smov.u32 s6;
	p0 =	sne.s32 s6, $0xFFFFFFFF  }
0xea: {  	s5 =	sadd.s32 $0x1, s5;
	s6 =	smov.u32 s7;
	s7 =	sadd.s32 $0x1, s7  }
0xeb: {  	p1 =	sne.s32 s2, s7;
	v1 =	vld.msk @!p0 [tilespmem:s5+$0x0], $0x1;
	_ =	sdelay $0x4  }
0xec: {  	(v2sf) =	vpush @!p0 v1, $0x0;
	_ =	sdelay $0xe  }
.Ltmp14:
0xed: {  	s9 =	spop @!p0 (v2sf);
	(pc) =	sbr.rel @p1 .LBB2_18-.Ltmp14, $4  }
0xee: {  	p2 =	seq.s32 @!p0 s0, s9  }
0xef: {  	p2 =	por !p2, p0  }
0xf0: {  	s6 =	simm.s32 @p2 $0xFFFFFFFF  }
0xf1: {  	s6 =	smov.u32 @p0 s8  }
.LBB2_19:
0xf2: {  	p0 =	sne.s32 s6, $0xFFFFFFFF  }
.Ltmp15:
0xf3: {  	_ = 	snop;
	(pc) =	sbr.rel @!p0 .LBB2_20-.Ltmp15, $1  }
0xf4: {  	_ =	sdelay $0x3  }
0xf5: {  	v0 =	vld.msk [tilespmem:s4+$0xE0], $0x1;
	v1 =	vmov s6  }
.Ltmp16:
0xf6: {  	_ = 	snop;
	(pc) =	sbr.rel .LBB2_22-.Ltmp16, $2  }
0xf7: {  	_ =	sdelay $0x2  }
0xf8: {  	[tilespmem:v1+s3+$0x0], v0 =	vst.idx.ret.add.f32.msk $0x1, v0  }
.LBB2_23:
0xf9: {  	p0 =	slt.s32 s2, $0x1  }
.Ltmp17:
0xfa: {  	_ = 	snop;
	(pc) =	sbr.rel @p0 .LBB2_27-.Ltmp17, $3  }
0xfb: {  	_ =	sdelay $0x1  }
0xfc: {  	s0 =	simm.s32 $0x6  }
0xfd: {  	[sflag:s0] =	ssyncpa.u1 $0x1;
	s0 =	simm.s32 $0x0  }
0xfe: {  	s3 =	simm.s32 $0xC0  }
0xff: {  	v0 =	vld.msk [tilespmem:s3+$0x0], $0x1;
	_ =	sdelay $0x4  }
0x100: {  	(v2sf) =	vpush v0, $0x0;
	_ =	sdelay $0xe  }
0x101: {  	s2 =	sadd.s32 $0xFFFFFFFF, s2;
	s4 =	spop (v2sf)  }
0x102: {  	p1 =	sne.s32 s2, $0x0;
	p0 =	sgt.u32 s4, $0x1FFF  }
.Ltmp18:
0x103: {  	s5 =	sshrl.u32 @!p0 s4, $0x3;
	(pc) =	sbr.rel @!p1 .LBB2_26-.Ltmp18, $4  }
0x104: {  	s3 =	simm.s32 $0xE0;
	s4 =	sand.u32 @!p0 $0x7, s4;
	s5 =	sadd.s32 @!p0 s1, s5  }
0x105: {  	[hbm4b:s5+s4] =	stream.linear.scatter @!p0 [tilespmem:s3], [sflag:$0x5], $0x1, $0x38;
	[tilespmem:$0x2520] =	vst v63  }
0x106: {  	s5 =	simm.s32 $0x0  }
0x107: {  	s4 =	simm.s32 $0xC1;
	s5 =	simm.s32 @!p0 $0x4  }
.LBB2_25:
0x108: {  	v0 =	vld.msk [tilespmem:s4+$0x0], $0x1;
	s2 =	sadd.s32 $0xFFFFFFFF, s2;
	s0 =	sadd.s32 s0, s5  }
0x109: {  	p0 =	sne.s32 s2, $0x0;
	_ =	sdelay $0x3  }
0x10a: {  	(v2sf) =	vpush v0, $0x0;
	_ =	sdelay $0xe  }
.Ltmp19:
0x10b: {  	s6 =	spop (v2sf);
	(pc) =	sbr.rel @p0 .LBB2_25-.Ltmp19, $4  }
0x10c: {  	s5 =	simm.s32 $0x0;
	p1 =	sgt.u32 s6, $0x1FFF  }
0x10d: {  	s3 =	sadd.s32 $0x1, s3;
	s5 =	simm.s32 @!p1 $0x4;
	s7 =	sshrl.u32 @!p1 s6, $0x3  }
0x10e: {  	s4 =	sadd.s32 $0x1, s4;
	s6 =	sand.u32 @!p1 $0x7, s6;
	s7 =	sadd.s32 @!p1 s1, s7  }
0x10f: {  	[hbm4b:s7+s6] =	stream.linear.scatter @!p1 [tilespmem:s3], [sflag:$0x5], $0x1, $0x38;
	[tilespmem:$0x2520] =	vst v63  }
.LBB2_26:
0x110: {  	s0 =	sadd.s32 s0, s5  }
0x111: {  	s0 =	sshrl.u32 s0, $0x2  }
.LBB2_27:
0x112: {  	s1 =	simm.s32 $0x5  }
0x113: {  	_ =	swait.ge [sflag:s1], s0  }
0x114: {  	s28 =	ssub.s32 $0x0, s0;
	[sflag:s1] =	ssyncset.done $0x0  }
0x115: {  	[sflag:s1] =	ssyncadd.s32 s28  }
0x116: {  	[sflag:s1] =	ssyncpa.u1 $0x1  }
0x117: {  	s29 =	simm.s32 $0x1;
	_ =	sfence  }
0x118: {  	s30 =	simm.s32 $0x2;
	[sflag:s29] =	ssyncpa.u1 $0x1  }
0x119: {  	[sflag:s30] =	ssyncpa.u1 $0x1  }
0x11a: {  	_ =	strace $0x90000047  }
0x11b: {  	[bflag:$0x2] =	sbarrier.arrive $0xFFFF  }
0x11c: {  	s31 =	rddreg [dreg:$0x1]  }
0x11d: {  	s0 =	sadd.s32 $0x100000, s31  }
0x11e: {  	[sflag:s0] =	ssyncadd.tile.s32 $0x1;
	_ =	shalt  }
.Lfunc_end2:
_tile_overlayer_lowered:
.L_overlay_start_2:
0x11f: {  	(tag) =	ssettag $0x2  }
0x120: {  	s0 =	rddreg [dreg:$0x0];
	s2 =	stileid.u32  }
0x121: {  	s1 =	rddreg [dreg:$0x1];
	p0 =	sne.s32 s2, $0x0  }
0x122: {  	s3 =	rddreg [dreg:$0x2];
	[bflag:$0x3] =	sbarrier.arrive $0xFFFF;
	s2 =	simm.s32 @!p0 $0x1C01  }
0x123: {  	[timem:s3], [sflag:s2] =	dma.local @!p0 [hbm:s0], s1  }
0x124: {  	s0 =	simm.s32 @!p0 $0x1  }
0x125: {  	_ =	swait.ge @!p0 [sflag:s0], s1  }
0x126: {  	s1 =	ssub.s32 @!p0 $0x0, s1;
	[sflag:s0] =	ssyncset.done @!p0 $0x0  }
0x127: {  	[sflag:s0] =	ssyncadd.s32 @!p0 s1  }
0x128: {  	[bflag:$0x3] =	sbarrier.arrive $0xFFFF  }
0x129: {  	_ =	shalt  }

</sc_bundles>
